<compile_context>
chip_gen: v7x
topology: tpu7x:2x2x1
jax: 0.10.2.dev20260603
libtpu: 0.0.44.dev20260713+nightly
codegen_flags: <defaults>
</compile_context>

<pallas_src>
import functools

import jax
import jax.numpy as jnp
from jax import lax
from jax.experimental import pallas as pl
from jax.experimental.pallas import tpu as pltpu
from jax.experimental.pallas import tpu_sc as plsc

_B = 16
_N = 1024
_E = 2048
_K = 32
_D = 1024
_V_EDGE = 1536
_T = _N + _E
_R = 2 + _T

_NC = 2
_NS = 16
_NW = _NC * _NS

_NPW = (_B * _N) // _NW
_CN = 4
_NF = 10
_NCH_N = _NPW // _CN



def _sc_body(nidx, atab, embn,
             idxn_v, rows0, rows1, acc0, acc1,
             sg0, sg1, sw0, sw1):
    c = lax.axis_index("c")
    s = lax.axis_index("s")
    w = s * _NC + c
    rows = (rows0, rows1)
    acc = (acc0, acc1)
    sg = (sg0, sg1)
    sw = (sw0, sw1)

    pltpu.sync_copy(nidx.at[pl.ds(w * _NPW * _NF, _NPW * _NF)], idxn_v)

    nrow_n = _CN * _NF

    def n_gather(i, b):
        pltpu.async_copy(
            atab.at[idxn_v.at[pl.ds(i * nrow_n, nrow_n)]],
            rows[b], sg[b])

    def n_wait(b):
        pltpu.make_async_copy(
            atab.at[pl.ds(0, nrow_n)], rows[b], sg[b]).wait()

    def n_store8(q, half):
        tok0 = w * _NPW + (4 * q + 2 * half) * _CN
        pltpu.async_copy(acc[half], embn.at[pl.ds(tok0, 2 * _CN)], sw[half])

    def n_store_wait(half):
        pltpu.make_async_copy(
            acc[half], embn.at[pl.ds(0, 2 * _CN)], sw[half]).wait()

    n_gather(0, 0)

    def n_quad(q, carry):
        for half in range(2):
            for sub in range(2):
                i = 4 * q + 2 * half + sub
                b = sub

                @pl.when(i + 1 < _NCH_N)
                def _():
                    n_gather(i + 1, 1 - b)

                if sub == 0:
                    @pl.when(q >= 1)
                    def _():
                        n_store_wait(half)
                n_wait(b)

                def gbody(g, carry2):
                    col = pl.ds(g * 16, 16)
                    for t in range(_CN):
                        a = rows[b][t * _NF, col]
                        for f in range(1, 9):
                            a = a + rows[b][t * _NF + f, col]
                        acc[half][sub * _CN + t, col] = a
                    return carry2
                lax.fori_loop(0, _D // 16, gbody, 0)
            n_store8(q, half)
        return carry
    lax.fori_loop(0, _NCH_N // 4, n_quad, 0)
    n_store_wait(0)
    n_store_wait(1)


@functools.partial(jax.jit)
def _sc_call(nidx, atab):
    mesh = plsc.VectorSubcoreMesh(core_axis_name="c", subcore_axis_name="s")
    f = pl.kernel(
        _sc_body,
        mesh=mesh,
        out_type=jax.ShapeDtypeStruct((_B * _N, _D), jnp.float32),
        scratch_types=[
            pltpu.VMEM((_NPW * _NF,), jnp.int32),
            pltpu.VMEM((_CN * _NF, _D), jnp.float32),
            pltpu.VMEM((_CN * _NF, _D), jnp.float32),
            pltpu.VMEM((2 * _CN, _D), jnp.float32),
            pltpu.VMEM((2 * _CN, _D), jnp.float32),
            pltpu.SemaphoreType.DMA,
            pltpu.SemaphoreType.DMA,
            pltpu.SemaphoreType.DMA,
            pltpu.SemaphoreType.DMA,
        ],
    )
    return f(nidx, atab)



def _tca_body(eig, src3, dst3, ed0, ed1, ed2, lapw, otab, gtok, ntok, etab, out):
    def dot(a, b):
        return lax.dot(a, b, preferred_element_type=jnp.float32)

    w0 = lapw[0:_K, :]
    w1 = lapw[_K:2 * _K, :]
    w2 = lapw[2 * _K:3 * _K, :]
    eigb = eig[0]
    out[0, 0:1, :] = gtok[...]
    out[0, 1:2, :] = ntok[...]
    wsum = w0 + w1 + w2
    cn = 512
    for j in range(_N // cn):
        nodelap = dot(eigb[j * cn:(j + 1) * cn, :], wsum)
        out[0, 2 + j * cn:2 + (j + 1) * cn, :] = nodelap + otab[1:2, :]
    e0row = dot(eigb[0:1, :], w2)
    ce = 512
    for j in range(_E // ce):
        sl = slice(j * ce, (j + 1) * ce)
        sj = src3[0, sl, :]
        dj = dst3[0, sl, :]
        iota_n = lax.broadcasted_iota(jnp.int32, (ce, _N), 1)
        ohs = (sj == iota_n).astype(jnp.float32)
        ohd = (dj == iota_n).astype(jnp.float32)
        lap = dot(dot(ohs, eigb), w0) + dot(dot(ohd, eigb), w1) + e0row
        iota_e = lax.broadcasted_iota(jnp.int32, (ce, _V_EDGE), 1)
        cnt = ((ed0[0, sl, :] == iota_e).astype(jnp.float32)
               + (ed1[0, sl, :] == iota_e).astype(jnp.float32)
               + (ed2[0, sl, :] == iota_e).astype(jnp.float32))
        emb = dot(cnt, etab[...])
        orows = jnp.where(sj == dj, otab[1:2, :], otab[0:1, :])
        out[0, 2 + _N + j * ce:2 + _N + (j + 1) * ce, :] = emb + lap + orows


def _tca_call(eig, src3, dst3, ed0, ed1, ed2, lapw, otab, gtok, ntok, etab):
    return pl.pallas_call(
        _tca_body,
        grid=(_B,),
        in_specs=[
            pl.BlockSpec((1, _N, _K), lambda b: (b, 0, 0)),
            pl.BlockSpec((1, _E, 1), lambda b: (b, 0, 0)),
            pl.BlockSpec((1, _E, 1), lambda b: (b, 0, 0)),
            pl.BlockSpec((1, _E, 1), lambda b: (b, 0, 0)),
            pl.BlockSpec((1, _E, 1), lambda b: (b, 0, 0)),
            pl.BlockSpec((1, _E, 1), lambda b: (b, 0, 0)),
            pl.BlockSpec((3 * _K, _D), lambda b: (0, 0)),
            pl.BlockSpec((2, _D), lambda b: (0, 0)),
            pl.BlockSpec((1, _D), lambda b: (0, 0)),
            pl.BlockSpec((1, _D), lambda b: (0, 0)),
            pl.BlockSpec((_V_EDGE, _D), lambda b: (0, 0)),
        ],
        out_specs=pl.BlockSpec((1, _R, _D), lambda b: (b, 0, 0)),
        out_shape=jax.ShapeDtypeStruct((_B, _R, _D), jnp.float32),
    )(eig, src3, dst3, ed0, ed1, ed2, lapw, otab, gtok, ntok, etab)



_W_B = 1032


def _tcb_body(outa, embn, out):
    out[0, 0:2, :] = outa[0, 0:2, :]
    out[0, 2:2 + _N, :] = outa[0, 2:2 + _N, :] + embn[0]
    out[0, 2 + _N:_W_B, :] = outa[0, 2 + _N:_W_B, :]


def _tcb_call(outa, embn):
    return pl.pallas_call(
        _tcb_body,
        grid=(_B,),
        in_specs=[
            pl.BlockSpec((1, _W_B, _D), lambda b: (b, 0, 0)),
            pl.BlockSpec((1, _N, _D), lambda b: (b, 0, 0)),
        ],
        out_specs=pl.BlockSpec((1, _W_B, _D), lambda b: (b, 0, 0)),
        out_shape=jax.ShapeDtypeStruct((_B, _R, _D), jnp.float32),
        input_output_aliases={0: 0},
    )(outa, embn)


def kernel(node_data, edge_index, edge_data, lap_eigvec, atom_table, edge_table,
           graph_token, null_token, order_table, lap_W):
    nd = node_data.astype(jnp.int32)
    ed = edge_data.astype(jnp.int32)
    src = edge_index[0].astype(jnp.int32)
    dst = edge_index[1].astype(jnp.int32)

    pad_col = (jnp.arange(_B * _N, dtype=jnp.int32) * 9) % 4608
    nidx = jnp.concatenate([nd, pad_col[:, None]], axis=1).reshape(-1)
    embn = _sc_call(nidx, atom_table)

    ed3 = ed.reshape(_B, _E, 3)
    outa = _tca_call(
        lap_eigvec.reshape(_B, _N, _K),
        src.reshape(_B, _E, 1), dst.reshape(_B, _E, 1),
        ed3[:, :, 0:1], ed3[:, :, 1:2], ed3[:, :, 2:3],
        lap_W, order_table, graph_token, null_token, edge_table)

    feat = _tcb_call(outa, embn.reshape(_B, _N, _D))

    src_r = edge_index[0].reshape(_B, _E)
    dst_r = edge_index[1].reshape(_B, _E)
    node_idx_part = jnp.broadcast_to(
        jnp.arange(_N)[None, :, None], (_B, _N, 3))
    edge_idx_part = jnp.stack([src_r, dst_r, jnp.zeros_like(src_r)], axis=-1)
    padded_index = jnp.concatenate([node_idx_part, edge_idx_part], axis=1)
    padding_mask = jnp.zeros((_B, _R), dtype=bool)
    return feat, padding_mask, padded_index

# --- scband reference (transcript-rebuilt; emitter-appended) ---
"""Pipeline reference for scband-graph-feature-tokenizer-31344671326494 (READ-ONLY COPY).

The authoritative reference and input builder live on the scoring server;
editing this copy changes nothing except your own understanding.
"""

import jax, jax.numpy as jnp
import numpy as np

B = 16
N_PER = 1024
E_PER = 2048
LAP_K = 32
D = 1024
NUM_ATOMS = 4608
NUM_EDGES = 1536


def setup_inputs(seed: int = 0) -> dict:
    key = jax.random.key(seed)
    k = jax.random.split(key, 10)
    node_data = jax.random.randint(k[0], (B * N_PER, 9), 0, NUM_ATOMS)
    edge_index = jax.random.randint(k[1], (2, B * E_PER), 0, N_PER)
    edge_data = jax.random.randint(k[2], (B * E_PER, 3), 0, NUM_EDGES)
    lap_eigvec = jax.random.normal(k[3], (B * N_PER, LAP_K), dtype=jnp.float32)
    atom_table = (jax.random.normal(k[4], (NUM_ATOMS, D), dtype=jnp.float32) * 0.02).at[0].set(0.0)
    edge_table = (jax.random.normal(k[5], (NUM_EDGES, D), dtype=jnp.float32) * 0.02).at[0].set(0.0)
    graph_token = jax.random.normal(k[6], (1, D), dtype=jnp.float32) * 0.02
    null_token = jax.random.normal(k[7], (1, D), dtype=jnp.float32) * 0.02
    order_table = jax.random.normal(k[8], (2, D), dtype=jnp.float32) * 0.02
    lap_W = jax.random.normal(k[9], (3 * LAP_K, D), dtype=jnp.float32) * (0.02 / np.sqrt(12.0))
    return {
        'node_data': node_data, 'edge_index': edge_index, 'edge_data': edge_data,
        'lap_eigvec': lap_eigvec, 'atom_table': atom_table, 'edge_table': edge_table,
        'graph_token': graph_token, 'null_token': null_token,
        'order_table': order_table, 'lap_W': lap_W,
    }


def reference(node_data, edge_index, edge_data, lap_eigvec, atom_table, edge_table,
              graph_token, null_token, order_table, lap_W):
    T = N_PER + E_PER
    # atom / edge encoders: multi-feature embedding lookup summed over feature axis
    node_feature = jnp.take(atom_table, node_data, axis=0).sum(axis=-2)   # [B*N, D]
    edge_feature = jnp.take(edge_table, edge_data, axis=0).sum(axis=-2)   # [B*E, D]
    # get_batch (uniform ragged sizes; masks computed faithfully, ring_num = 0)
    token_pos = jnp.arange(T)[None, :]
    node_num = jnp.full((B, 1), N_PER)
    edge_num = jnp.full((B, 1), E_PER)
    padded_node_mask = token_pos < node_num
    padded_edge_mask = (token_pos >= node_num) & (token_pos < node_num + edge_num)
    node_idx_part = jnp.broadcast_to(jnp.arange(N_PER)[None, :, None], (B, N_PER, 3))
    src = edge_index[0].reshape(B, E_PER)
    dst = edge_index[1].reshape(B, E_PER)
    edge_idx_part = jnp.stack([src, dst, jnp.zeros_like(src)], axis=-1)
    padded_index = jnp.concatenate([node_idx_part, edge_idx_part], axis=1)          # [B, T, 3]
    padded_feature = jnp.concatenate(
        [node_feature.reshape(B, N_PER, D), edge_feature.reshape(B, E_PER, D)], axis=1)  # [B, T, D]
    padding_mask = jnp.broadcast_to(token_pos >= (node_num + edge_num), (B, T))
    # lap node-id index embedding: gather eigvec of each endpoint then project (3*k -> D)
    node_id = lap_eigvec.reshape(B, N_PER, LAP_K)
    padded_node_id = jnp.broadcast_to(node_id[:, :, None, :], (B, N_PER, 3, LAP_K))
    gidx = jnp.broadcast_to(padded_index[..., None], (B, T, 3, LAP_K))
    index_embed = jnp.take_along_axis(padded_node_id, gidx, axis=1).reshape(B, T, 3 * LAP_K)
    padded_feature = padded_feature + index_embed @ lap_W
    # type-id (node vs edge token) embedding
    order = (padded_index[..., 0] == padded_index[..., 1]).astype(jnp.int32)
    padded_feature = padded_feature + jnp.take(order_table, order, axis=0)
    # add special tokens (graph token + null token prepended)
    gt = jnp.broadcast_to(graph_token[None, :, :], (B, 1, D))
    nt = jnp.broadcast_to(null_token[None, :, :], (B, 1, D))
    padded_feature = jnp.concatenate([gt, nt, padded_feature], axis=1)
    padding_mask = jnp.concatenate([jnp.zeros((B, 2), dtype=bool), padding_mask], axis=1)
    padded_feature = jnp.where(padding_mask[..., None], 0.0, padded_feature)
    return padded_feature, padding_mask, padded_index

if __name__ == "__main__":
    import jax
    _d = setup_inputs()
    print(jax.jit(kernel)(*tuple(_d.values())))

</pallas_src>

<mosaic_0001>
#map = affine_map<(d0, d1) -> (0)>
#map1 = affine_map<(d0, d1) -> (0, 0)>
module attributes {stable_mosaic.version = 14 : i64} {
  func.func @_sc_body(%arg0: i32, %arg1: i32, %arg2: memref<163840xi32, #tpu.memory_space<hbm>>, %arg3: memref<4608x1024xf32, #tpu.memory_space<hbm>>, %arg4: memref<16384x1024xf32, #tpu.memory_space<hbm>>, %arg5: memref<5120xi32, #tpu.memory_space<vmem>>, %arg6: memref<40x1024xf32, #tpu.memory_space<vmem>>, %arg7: memref<40x1024xf32, #tpu.memory_space<vmem>>, %arg8: memref<8x1024xf32, #tpu.memory_space<vmem>>, %arg9: memref<8x1024xf32, #tpu.memory_space<vmem>>, %arg10: memref<!tpu.dma_semaphore, #tpu.memory_space<semaphore_mem>>, %arg11: memref<!tpu.dma_semaphore, #tpu.memory_space<semaphore_mem>>, %arg12: memref<!tpu.dma_semaphore, #tpu.memory_space<semaphore_mem>>, %arg13: memref<!tpu.dma_semaphore, #tpu.memory_space<semaphore_mem>>) attributes {dimension_semantics = [#tpu.dimension_semantics<core_parallel>, #tpu.dimension_semantics<subcore_parallel>], iteration_bounds = array<i64: 2, 16>, scalar_prefetch = 0 : i64, scratch_operands = 9 : i64, tpu.core_type = #tpu.core_type<sc_vector_subcore>, window_params = [{transform_indices = #map}, {transform_indices = #map1}, {transform_indices = #map1}]} {
    %mul3A = arith.constant 2 : i32
    %mul3A_0 = arith.muli %arg1, %mul3A : i32
    %add3A = arith.addi %mul3A_0, %arg0 : i32
    %mul3A_1 = arith.constant 512 : i32
    %mul3A_2 = arith.muli %add3A, %mul3A_1 : i32
    %mul3A_3 = arith.constant 10 : i32
    %mul3A_4 = arith.muli %mul3A_2, %mul3A_3 : i32
    "tpu.region"() ({
      %run_scoped3A = tpu.sem_alloc : memref<!tpu.dma_semaphore, #tpu.memory_space<semaphore_mem>>
      %dma_start3A_25 = tpu.memref_slice %arg2[%mul3A_4] : memref<163840xi32, #tpu.memory_space<hbm>> -> memref<5120xi32, #tpu.memory_space<hbm>>
      %dma_start3A_26 = tpu.memref_slice %arg2[%mul3A_4] : memref<163840xi32, #tpu.memory_space<hbm>> -> memref<5120xi32, #tpu.memory_space<hbm>>
      tpu.enqueue_dma source(%dma_start3A_26 : memref<5120xi32, #tpu.memory_space<hbm>>) target(%arg5 : memref<5120xi32, #tpu.memory_space<vmem>>) target_semaphore(%run_scoped3A : memref<!tpu.dma_semaphore, #tpu.memory_space<semaphore_mem>>)
      %dma_wait3A_27 = tpu.memref_slice %arg2[%mul3A_4] : memref<163840xi32, #tpu.memory_space<hbm>> -> memref<5120xi32, #tpu.memory_space<hbm>>
      %dma_wait3A_28 = tpu.memref_slice %arg2[%mul3A_4] : memref<163840xi32, #tpu.memory_space<hbm>> -> memref<5120xi32, #tpu.memory_space<hbm>>
      tpu.wait_dma2 semaphore(%run_scoped3A : memref<!tpu.dma_semaphore, #tpu.memory_space<semaphore_mem>>) src(%dma_wait3A_28 : memref<5120xi32, #tpu.memory_space<hbm>>) dst(%arg5 : memref<5120xi32, #tpu.memory_space<vmem>>)
      tpu.yield
    }) : () -> ()
    %dma_start3A = arith.constant 0 : i32
    %dma_start3A_5 = tpu.memref_slice %arg5[%dma_start3A] : memref<5120xi32, #tpu.memory_space<vmem>> -> memref<40xi32, #tpu.memory_space<vmem>>
    %dma_start3A_6 = arith.constant 0 : i32
    %dma_start3A_7 = arith.constant 0 : i32
    %dma_start3A_8 = tpu.memref_slice %arg3[%dma_start3A_6, %dma_start3A_7] : memref<4608x1024xf32, #tpu.memory_space<hbm>> -> memref<4608x1024xf32, #tpu.memory_space<hbm>>
    tpu.enqueue_indirect_dma source(%dma_start3A_8 : memref<4608x1024xf32, #tpu.memory_space<hbm>>) target(%arg6 : memref<40x1024xf32, #tpu.memory_space<vmem>>) offsets(%dma_start3A_5 : memref<40xi32, #tpu.memory_space<vmem>>) semaphore(%arg10 : memref<!tpu.dma_semaphore, #tpu.memory_space<semaphore_mem>>)
    %scan3A = arith.constant 0 : i32
    %scan3A_9 = arith.constant 0 : i32
    %scan3A_10 = arith.constant 32 : i32
    %scan3A_11 = arith.addi %scan3A_9, %scan3A_10 : i32
    %scan3A_12 = arith.constant 1 : i32
    scf.for %scan3A_25 = %scan3A_9 to %scan3A_11 step %scan3A_12  : i32 {
      %mul3A_26 = arith.constant 4 : i32
      %mul3A_27 = arith.muli %mul3A_26, %scan3A_25 : i32
      %add3A_28 = arith.constant 0 : i32
      %add3A_29 = arith.addi %mul3A_27, %add3A_28 : i32
      %add3A_30 = arith.constant 0 : i32
      %add3A_31 = arith.addi %add3A_29, %add3A_30 : i32
      %add3A_32 = arith.constant 1 : i32
      %add3A_33 = arith.addi %add3A_31, %add3A_32 : i32
      %lt3A = arith.constant 128 : i32
      %lt3A_34 = arith.cmpi slt, %add3A_33, %lt3A : i32
      %convert_element_type3A = arith.extui %lt3A_34 : i1 to i32
      %cond3A = arith.constant 0 : i32
      %cond3A_35 = arith.cmpi ne, %convert_element_type3A, %cond3A : i32
      scf.if %cond3A_35 {
        %add3A_158 = arith.constant 1 : i32
        %add3A_159 = arith.addi %add3A_31, %add3A_158 : i32
        %mul3A_160 = arith.constant 40 : i32
        %mul3A_161 = arith.muli %add3A_159, %mul3A_160 : i32
        %dma_start3A_162 = tpu.memref_slice %arg5[%mul3A_161] : memref<5120xi32, #tpu.memory_space<vmem>> -> memref<40xi32, #tpu.memory_space<vmem>>
        %dma_start3A_163 = arith.constant 0 : i32
        %dma_start3A_164 = arith.constant 0 : i32
        %dma_start3A_165 = tpu.memref_slice %arg3[%dma_start3A_163, %dma_start3A_164] : memref<4608x1024xf32, #tpu.memory_space<hbm>> -> memref<4608x1024xf32, #tpu.memory_space<hbm>>
        tpu.enqueue_indirect_dma source(%dma_start3A_165 : memref<4608x1024xf32, #tpu.memory_space<hbm>>) target(%arg7 : memref<40x1024xf32, #tpu.memory_space<vmem>>) offsets(%dma_start3A_162 : memref<40xi32, #tpu.memory_space<vmem>>) semaphore(%arg11 : memref<!tpu.dma_semaphore, #tpu.memory_space<semaphore_mem>>)
      } else {
      }
      %ge3A = arith.constant 1 : i32
      %ge3A_36 = arith.cmpi sge, %scan3A_25, %ge3A : i32
      %convert_element_type3A_37 = arith.extui %ge3A_36 : i1 to i32
      %cond3A_38 = arith.constant 0 : i32
      %cond3A_39 = arith.cmpi ne, %convert_element_type3A_37, %cond3A_38 : i32
      scf.if %cond3A_39 {
        %dma_wait3A_158 = arith.constant 0 : i32
        %dma_wait3A_159 = arith.constant 0 : i32
        %dma_wait3A_160 = tpu.memref_slice %arg4[%dma_wait3A_158, %dma_wait3A_159] : memref<16384x1024xf32, #tpu.memory_space<hbm>> -> memref<8x1024xf32, #tpu.memory_space<hbm>>
        %dma_wait3A_161 = arith.constant 0 : i32
        %dma_wait3A_162 = arith.constant 0 : i32
        %dma_wait3A_163 = tpu.memref_slice %arg4[%dma_wait3A_161, %dma_wait3A_162] : memref<16384x1024xf32, #tpu.memory_space<hbm>> -> memref<8x1024xf32, #tpu.memory_space<hbm>>
        tpu.wait_dma2 semaphore(%arg12 : memref<!tpu.dma_semaphore, #tpu.memory_space<semaphore_mem>>) src(%arg8 : memref<8x1024xf32, #tpu.memory_space<vmem>>) dst(%dma_wait3A_163 : memref<8x1024xf32, #tpu.memory_space<hbm>>)
      } else {
      }
      %dma_wait3A_40 = arith.constant 0 : i32
      %dma_wait3A_41 = arith.constant 0 : i32
      %dma_wait3A_42 = tpu.memref_slice %arg3[%dma_wait3A_40, %dma_wait3A_41] : memref<4608x1024xf32, #tpu.memory_space<hbm>> -> memref<40x1024xf32, #tpu.memory_space<hbm>>
      %dma_wait3A_43 = arith.constant 0 : i32
      %dma_wait3A_44 = arith.constant 0 : i32
      %dma_wait3A_45 = tpu.memref_slice %arg3[%dma_wait3A_43, %dma_wait3A_44] : memref<4608x1024xf32, #tpu.memory_space<hbm>> -> memref<40x1024xf32, #tpu.memory_space<hbm>>
      tpu.wait_dma2 semaphore(%arg10 : memref<!tpu.dma_semaphore, #tpu.memory_space<semaphore_mem>>) src(%dma_wait3A_45 : memref<40x1024xf32, #tpu.memory_space<hbm>>) dst(%arg6 : memref<40x1024xf32, #tpu.memory_space<vmem>>)
      %scan3A_46 = arith.constant 0 : i32
      %scan3A_47 = arith.constant 0 : i32
      %scan3A_48 = arith.constant 64 : i32
      %scan3A_49 = arith.addi %scan3A_47, %scan3A_48 : i32
      %scan3A_50 = arith.constant 1 : i32
      scf.for %scan3A_158 = %scan3A_47 to %scan3A_49 step %scan3A_50  : i32 {
        %mul3A_159 = arith.constant 16 : i32
        %mul3A_160 = arith.muli %scan3A_158, %mul3A_159 : i32
        %get3A = arith.constant 0 : i32
        %get3A_161 = arith.index_cast %get3A : i32 to index
        %get3A_162 = arith.index_cast %mul3A_160 : i32 to index
        %get3A_163 = tpu.vector_load %arg6[%get3A_161, %get3A_162] {strides = array<i32>} : memref<40x1024xf32, #tpu.memory_space<vmem>>, vector<1x16xf32>,
        %get3A_164 = vector.shape_cast %get3A_163 : vector<1x16xf32> to vector<16xf32>
        %get3A_165 = arith.constant 1 : i32
        %get3A_166 = arith.index_cast %get3A_165 : i32 to index
        %get3A_167 = arith.index_cast %mul3A_160 : i32 to index
        %get3A_168 = tpu.vector_load %arg6[%get3A_166, %get3A_167] {strides = array<i32>} : memref<40x1024xf32, #tpu.memory_space<vmem>>, vector<1x16xf32>,
        %get3A_169 = vector.shape_cast %get3A_168 : vector<1x16xf32> to vector<16xf32>
        %add3A_170 = arith.addf %get3A_164, %get3A_169 : vector<16xf32>
        %get3A_171 = arith.constant 2 : i32
        %get3A_172 = arith.index_cast %get3A_171 : i32 to index
        %get3A_173 = arith.index_cast %mul3A_160 : i32 to index
        %get3A_174 = tpu.vector_load %arg6[%get3A_172, %get3A_173] {strides = array<i32>} : memref<40x1024xf32, #tpu.memory_space<vmem>>, vector<1x16xf32>,
        %get3A_175 = vector.shape_cast %get3A_174 : vector<1x16xf32> to vector<16xf32>
        %add3A_176 = arith.addf %add3A_170, %get3A_175 : vector<16xf32>
        %get3A_177 = arith.constant 3 : i32
        %get3A_178 = arith.index_cast %get3A_177 : i32 to index
        %get3A_179 = arith.index_cast %mul3A_160 : i32 to index
        %get3A_180 = tpu.vector_load %arg6[%get3A_178, %get3A_179] {strides = array<i32>} : memref<40x1024xf32, #tpu.memory_space<vmem>>, vector<1x16xf32>,
        %get3A_181 = vector.shape_cast %get3A_180 : vector<1x16xf32> to vector<16xf32>
        %add3A_182 = arith.addf %add3A_176, %get3A_181 : vector<16xf32>
        %get3A_183 = arith.constant 4 : i32
        %get3A_184 = arith.index_cast %get3A_183 : i32 to index
        %get3A_185 = arith.index_cast %mul3A_160 : i32 to index
        %get3A_186 = tpu.vector_load %arg6[%get3A_184, %get3A_185] {strides = array<i32>} : memref<40x1024xf32, #tpu.memory_space<vmem>>, vector<1x16xf32>,
        %get3A_187 = vector.shape_cast %get3A_186 : vector<1x16xf32> to vector<16xf32>
        %add3A_188 = arith.addf %add3A_182, %get3A_187 : vector<16xf32>
        %get3A_189 = arith.constant 5 : i32
        %get3A_190 = arith.index_cast %get3A_189 : i32 to index
        %get3A_191 = arith.index_cast %mul3A_160 : i32 to index
        %get3A_192 = tpu.vector_load %arg6[%get3A_190, %get3A_191] {strides = array<i32>} : memref<40x1024xf32, #tpu.memory_space<vmem>>, vector<1x16xf32>,
        %get3A_193 = vector.shape_cast %get3A_192 : vector<1x16xf32> to vector<16xf32>
        %add3A_194 = arith.addf %add3A_188, %get3A_193 : vector<16xf32>
        %get3A_195 = arith.constant 6 : i32
        %get3A_196 = arith.index_cast %get3A_195 : i32 to index
        %get3A_197 = arith.index_cast %mul3A_160 : i32 to index
        %get3A_198 = tpu.vector_load %arg6[%get3A_196, %get3A_197] {strides = array<i32>} : memref<40x1024xf32, #tpu.memory_space<vmem>>, vector<1x16xf32>,
        %get3A_199 = vector.shape_cast %get3A_198 : vector<1x16xf32> to vector<16xf32>
        %add3A_200 = arith.addf %add3A_194, %get3A_199 : vector<16xf32>
        %get3A_201 = arith.constant 7 : i32
        %get3A_202 = arith.index_cast %get3A_201 : i32 to index
        %get3A_203 = arith.index_cast %mul3A_160 : i32 to index
        %get3A_204 = tpu.vector_load %arg6[%get3A_202, %get3A_203] {strides = array<i32>} : memref<40x1024xf32, #tpu.memory_space<vmem>>, vector<1x16xf32>,
        %get3A_205 = vector.shape_cast %get3A_204 : vector<1x16xf32> to vector<16xf32>
        %add3A_206 = arith.addf %add3A_200, %get3A_205 : vector<16xf32>
        %get3A_207 = arith.constant 8 : i32
        %get3A_208 = arith.index_cast %get3A_207 : i32 to index
        %get3A_209 = arith.index_cast %mul3A_160 : i32 to index
        %get3A_210 = tpu.vector_load %arg6[%get3A_208, %get3A_209] {strides = array<i32>} : memref<40x1024xf32, #tpu.memory_space<vmem>>, vector<1x16xf32>,
        %get3A_211 = vector.shape_cast %get3A_210 : vector<1x16xf32> to vector<16xf32>
        %add3A_212 = arith.addf %add3A_206, %get3A_211 : vector<16xf32>
        %swap3A = arith.constant 0 : i32
        %swap3A_213 = arith.index_cast %swap3A : i32 to index
        %swap3A_214 = arith.index_cast %mul3A_160 : i32 to index
        %swap3A_215 = tpu.vector_load %arg8[%swap3A_213, %swap3A_214] {strides = array<i32>} : memref<8x1024xf32, #tpu.memory_space<vmem>>, vector<1x16xf32>,
        %swap3A_216 = vector.shape_cast %swap3A_215 : vector<1x16xf32> to vector<16xf32>
        %swap3A_217 = vector.shape_cast %add3A_212 : vector<16xf32> to vector<1x16xf32>
        tpu.vector_store %arg8[%swap3A_213, %swap3A_214], %swap3A_217 {strides = array<i32>} : memref<8x1024xf32, #tpu.memory_space<vmem>>, vector<1x16xf32>,
        %get3A_218 = arith.constant 10 : i32
        %get3A_219 = arith.index_cast %get3A_218 : i32 to index
        %get3A_220 = arith.index_cast %mul3A_160 : i32 to index
        %get3A_221 = tpu.vector_load %arg6[%get3A_219, %get3A_220] {strides = array<i32>} : memref<40x1024xf32, #tpu.memory_space<vmem>>, vector<1x16xf32>,
        %get3A_222 = vector.shape_cast %get3A_221 : vector<1x16xf32> to vector<16xf32>
        %get3A_223 = arith.constant 11 : i32
        %get3A_224 = arith.index_cast %get3A_223 : i32 to index
        %get3A_225 = arith.index_cast %mul3A_160 : i32 to index
        %get3A_226 = tpu.vector_load %arg6[%get3A_224, %get3A_225] {strides = array<i32>} : memref<40x1024xf32, #tpu.memory_space<vmem>>, vector<1x16xf32>,
        %get3A_227 = vector.shape_cast %get3A_226 : vector<1x16xf32> to vector<16xf32>
        %add3A_228 = arith.addf %get3A_222, %get3A_227 : vector<16xf32>
        %get3A_229 = arith.constant 12 : i32
        %get3A_230 = arith.index_cast %get3A_229 : i32 to index
        %get3A_231 = arith.index_cast %mul3A_160 : i32 to index
        %get3A_232 = tpu.vector_load %arg6[%get3A_230, %get3A_231] {strides = array<i32>} : memref<40x1024xf32, #tpu.memory_space<vmem>>, vector<1x16xf32>,
        %get3A_233 = vector.shape_cast %get3A_232 : vector<1x16xf32> to vector<16xf32>
        %add3A_234 = arith.addf %add3A_228, %get3A_233 : vector<16xf32>
        %get3A_235 = arith.constant 13 : i32
        %get3A_236 = arith.index_cast %get3A_235 : i32 to index
        %get3A_237 = arith.index_cast %mul3A_160 : i32 to index
        %get3A_238 = tpu.vector_load %arg6[%get3A_236, %get3A_237] {strides = array<i32>} : memref<40x1024xf32, #tpu.memory_space<vmem>>, vector<1x16xf32>,
        %get3A_239 = vector.shape_cast %get3A_238 : vector<1x16xf32> to vector<16xf32>
        %add3A_240 = arith.addf %add3A_234, %get3A_239 : vector<16xf32>
        %get3A_241 = arith.constant 14 : i32
        %get3A_242 = arith.index_cast %get3A_241 : i32 to index
        %get3A_243 = arith.index_cast %mul3A_160 : i32 to index
        %get3A_244 = tpu.vector_load %arg6[%get3A_242, %get3A_243] {strides = array<i32>} : memref<40x1024xf32, #tpu.memory_space<vmem>>, vector<1x16xf32>,
        %get3A_245 = vector.shape_cast %get3A_244 : vector<1x16xf32> to vector<16xf32>
        %add3A_246 = arith.addf %add3A_240, %get3A_245 : vector<16xf32>
        %get3A_247 = arith.constant 15 : i32
        %get3A_248 = arith.index_cast %get3A_247 : i32 to index
        %get3A_249 = arith.index_cast %mul3A_160 : i32 to index
        %get3A_250 = tpu.vector_load %arg6[%get3A_248, %get3A_249] {strides = array<i32>} : memref<40x1024xf32, #tpu.memory_space<vmem>>, vector<1x16xf32>,
        %get3A_251 = vector.shape_cast %get3A_250 : vector<1x16xf32> to vector<16xf32>
        %add3A_252 = arith.addf %add3A_246, %get3A_251 : vector<16xf32>
        %get3A_253 = arith.constant 16 : i32
        %get3A_254 = arith.index_cast %get3A_253 : i32 to index
        %get3A_255 = arith.index_cast %mul3A_160 : i32 to index
        %get3A_256 = tpu.vector_load %arg6[%get3A_254, %get3A_255] {strides = array<i32>} : memref<40x1024xf32, #tpu.memory_space<vmem>>, vector<1x16xf32>,
        %get3A_257 = vector.shape_cast %get3A_256 : vector<1x16xf32> to vector<16xf32>
        %add3A_258 = arith.addf %add3A_252, %get3A_257 : vector<16xf32>
        %get3A_259 = arith.constant 17 : i32
        %get3A_260 = arith.index_cast %get3A_259 : i32 to index
        %get3A_261 = arith.index_cast %mul3A_160 : i32 to index
        %get3A_262 = tpu.vector_load %arg6[%get3A_260, %get3A_261] {strides = array<i32>} : memref<40x1024xf32, #tpu.memory_space<vmem>>, vector<1x16xf32>,
        %get3A_263 = vector.shape_cast %get3A_262 : vector<1x16xf32> to vector<16xf32>
        %add3A_264 = arith.addf %add3A_258, %get3A_263 : vector<16xf32>
        %get3A_265 = arith.constant 18 : i32
        %get3A_266 = arith.index_cast %get3A_265 : i32 to index
        %get3A_267 = arith.index_cast %mul3A_160 : i32 to index
        %get3A_268 = tpu.vector_load %arg6[%get3A_266, %get3A_267] {strides = array<i32>} : memref<40x1024xf32, #tpu.memory_space<vmem>>, vector<1x16xf32>,
        %get3A_269 = vector.shape_cast %get3A_268 : vector<1x16xf32> to vector<16xf32>
        %add3A_270 = arith.addf %add3A_264, %get3A_269 : vector<16xf32>
        %swap3A_271 = arith.constant 1 : i32
        %swap3A_272 = arith.index_cast %swap3A_271 : i32 to index
        %swap3A_273 = arith.index_cast %mul3A_160 : i32 to index
        %swap3A_274 = tpu.vector_load %arg8[%swap3A_272, %swap3A_273] {strides = array<i32>} : memref<8x1024xf32, #tpu.memory_space<vmem>>, vector<1x16xf32>,
        %swap3A_275 = vector.shape_cast %swap3A_274 : vector<1x16xf32> to vector<16xf32>
        %swap3A_276 = vector.shape_cast %add3A_270 : vector<16xf32> to vector<1x16xf32>
        tpu.vector_store %arg8[%swap3A_272, %swap3A_273], %swap3A_276 {strides = array<i32>} : memref<8x1024xf32, #tpu.memory_space<vmem>>, vector<1x16xf32>,
        %get3A_277 = arith.constant 20 : i32
        %get3A_278 = arith.index_cast %get3A_277 : i32 to index
        %get3A_279 = arith.index_cast %mul3A_160 : i32 to index
        %get3A_280 = tpu.vector_load %arg6[%get3A_278, %get3A_279] {strides = array<i32>} : memref<40x1024xf32, #tpu.memory_space<vmem>>, vector<1x16xf32>,
        %get3A_281 = vector.shape_cast %get3A_280 : vector<1x16xf32> to vector<16xf32>
        %get3A_282 = arith.constant 21 : i32
        %get3A_283 = arith.index_cast %get3A_282 : i32 to index
        %get3A_284 = arith.index_cast %mul3A_160 : i32 to index
        %get3A_285 = tpu.vector_load %arg6[%get3A_283, %get3A_284] {strides = array<i32>} : memref<40x1024xf32, #tpu.memory_space<vmem>>, vector<1x16xf32>,
        %get3A_286 = vector.shape_cast %get3A_285 : vector<1x16xf32> to vector<16xf32>
        %add3A_287 = arith.addf %get3A_281, %get3A_286 : vector<16xf32>
        %get3A_288 = arith.constant 22 : i32
        %get3A_289 = arith.index_cast %get3A_288 : i32 to index
        %get3A_290 = arith.index_cast %mul3A_160 : i32 to index
        %get3A_291 = tpu.vector_load %arg6[%get3A_289, %get3A_290] {strides = array<i32>} : memref<40x1024xf32, #tpu.memory_space<vmem>>, vector<1x16xf32>,
        %get3A_292 = vector.shape_cast %get3A_291 : vector<1x16xf32> to vector<16xf32>
        %add3A_293 = arith.addf %add3A_287, %get3A_292 : vector<16xf32>
        %get3A_294 = arith.constant 23 : i32
        %get3A_295 = arith.index_cast %get3A_294 : i32 to index
        %get3A_296 = arith.index_cast %mul3A_160 : i32 to index
        %get3A_297 = tpu.vector_load %arg6[%get3A_295, %get3A_296] {strides = array<i32>} : memref<40x1024xf32, #tpu.memory_space<vmem>>, vector<1x16xf32>,
        %get3A_298 = vector.shape_cast %get3A_297 : vector<1x16xf32> to vector<16xf32>
        %add3A_299 = arith.addf %add3A_293, %get3A_298 : vector<16xf32>
        %get3A_300 = arith.constant 24 : i32
        %get3A_301 = arith.index_cast %get3A_300 : i32 to index
        %get3A_302 = arith.index_cast %mul3A_160 : i32 to index
        %get3A_303 = tpu.vector_load %arg6[%get3A_301, %get3A_302] {strides = array<i32>} : memref<40x1024xf32, #tpu.memory_space<vmem>>, vector<1x16xf32>,
        %get3A_304 = vector.shape_cast %get3A_303 : vector<1x16xf32> to vector<16xf32>
        %add3A_305 = arith.addf %add3A_299, %get3A_304 : vector<16xf32>
        %get3A_306 = arith.constant 25 : i32
        %get3A_307 = arith.index_cast %get3A_306 : i32 to index
        %get3A_308 = arith.index_cast %mul3A_160 : i32 to index
        %get3A_309 = tpu.vector_load %arg6[%get3A_307, %get3A_308] {strides = array<i32>} : memref<40x1024xf32, #tpu.memory_space<vmem>>, vector<1x16xf32>,
        %get3A_310 = vector.shape_cast %get3A_309 : vector<1x16xf32> to vector<16xf32>
        %add3A_311 = arith.addf %add3A_305, %get3A_310 : vector<16xf32>
        %get3A_312 = arith.constant 26 : i32
        %get3A_313 = arith.index_cast %get3A_312 : i32 to index
        %get3A_314 = arith.index_cast %mul3A_160 : i32 to index
        %get3A_315 = tpu.vector_load %arg6[%get3A_313, %get3A_314] {strides = array<i32>} : memref<40x1024xf32, #tpu.memory_space<vmem>>, vector<1x16xf32>,
        %get3A_316 = vector.shape_cast %get3A_315 : vector<1x16xf32> to vector<16xf32>
        %add3A_317 = arith.addf %add3A_311, %get3A_316 : vector<16xf32>
        %get3A_318 = arith.constant 27 : i32
        %get3A_319 = arith.index_cast %get3A_318 : i32 to index
        %get3A_320 = arith.index_cast %mul3A_160 : i32 to index
        %get3A_321 = tpu.vector_load %arg6[%get3A_319, %get3A_320] {strides = array<i32>} : memref<40x1024xf32, #tpu.memory_space<vmem>>, vector<1x16xf32>,
        %get3A_322 = vector.shape_cast %get3A_321 : vector<1x16xf32> to vector<16xf32>
        %add3A_323 = arith.addf %add3A_317, %get3A_322 : vector<16xf32>
        %get3A_324 = arith.constant 28 : i32
        %get3A_325 = arith.index_cast %get3A_324 : i32 to index
        %get3A_326 = arith.index_cast %mul3A_160 : i32 to index
        %get3A_327 = tpu.vector_load %arg6[%get3A_325, %get3A_326] {strides = array<i32>} : memref<40x1024xf32, #tpu.memory_space<vmem>>, vector<1x16xf32>,
        %get3A_328 = vector.shape_cast %get3A_327 : vector<1x16xf32> to vector<16xf32>
        %add3A_329 = arith.addf %add3A_323, %get3A_328 : vector<16xf32>
        %swap3A_330 = arith.constant 2 : i32
        %swap3A_331 = arith.index_cast %swap3A_330 : i32 to index
        %swap3A_332 = arith.index_cast %mul3A_160 : i32 to index
        %swap3A_333 = tpu.vector_load %arg8[%swap3A_331, %swap3A_332] {strides = array<i32>} : memref<8x1024xf32, #tpu.memory_space<vmem>>, vector<1x16xf32>,
        %swap3A_334 = vector.shape_cast %swap3A_333 : vector<1x16xf32> to vector<16xf32>
        %swap3A_335 = vector.shape_cast %add3A_329 : vector<16xf32> to vector<1x16xf32>
        tpu.vector_store %arg8[%swap3A_331, %swap3A_332], %swap3A_335 {strides = array<i32>} : memref<8x1024xf32, #tpu.memory_space<vmem>>, vector<1x16xf32>,
        %get3A_336 = arith.constant 30 : i32
        %get3A_337 = arith.index_cast %get3A_336 : i32 to index
        %get3A_338 = arith.index_cast %mul3A_160 : i32 to index
        %get3A_339 = tpu.vector_load %arg6[%get3A_337, %get3A_338] {strides = array<i32>} : memref<40x1024xf32, #tpu.memory_space<vmem>>, vector<1x16xf32>,
        %get3A_340 = vector.shape_cast %get3A_339 : vector<1x16xf32> to vector<16xf32>
        %get3A_341 = arith.constant 31 : i32
        %get3A_342 = arith.index_cast %get3A_341 : i32 to index
        %get3A_343 = arith.index_cast %mul3A_160 : i32 to index
        %get3A_344 = tpu.vector_load %arg6[%get3A_342, %get3A_343] {strides = array<i32>} : memref<40x1024xf32, #tpu.memory_space<vmem>>, vector<1x16xf32>,
        %get3A_345 = vector.shape_cast %get3A_344 : vector<1x16xf32> to vector<16xf32>
        %add3A_346 = arith.addf %get3A_340, %get3A_345 : vector<16xf32>
        %get3A_347 = arith.constant 32 : i32
        %get3A_348 = arith.index_cast %get3A_347 : i32 to index
        %get3A_349 = arith.index_cast %mul3A_160 : i32 to index
        %get3A_350 = tpu.vector_load %arg6[%get3A_348, %get3A_349] {strides = array<i32>} : memref<40x1024xf32, #tpu.memory_space<vmem>>, vector<1x16xf32>,
        %get3A_351 = vector.shape_cast %get3A_350 : vector<1x16xf32> to vector<16xf32>
        %add3A_352 = arith.addf %add3A_346, %get3A_351 : vector<16xf32>
        %get3A_353 = arith.constant 33 : i32
        %get3A_354 = arith.index_cast %get3A_353 : i32 to index
        %get3A_355 = arith.index_cast %mul3A_160 : i32 to index
        %get3A_356 = tpu.vector_load %arg6[%get3A_354, %get3A_355] {strides = array<i32>} : memref<40x1024xf32, #tpu.memory_space<vmem>>, vector<1x16xf32>,
        %get3A_357 = vector.shape_cast %get3A_356 : vector<1x16xf32> to vector<16xf32>
        %add3A_358 = arith.addf %add3A_352, %get3A_357 : vector<16xf32>
        %get3A_359 = arith.constant 34 : i32
        %get3A_360 = arith.index_cast %get3A_359 : i32 to index
        %get3A_361 = arith.index_cast %mul3A_160 : i32 to index
        %get3A_362 = tpu.vector_load %arg6[%get3A_360, %get3A_361] {strides = array<i32>} : memref<40x1024xf32, #tpu.memory_space<vmem>>, vector<1x16xf32>,
        %get3A_363 = vector.shape_cast %get3A_362 : vector<1x16xf32> to vector<16xf32>
        %add3A_364 = arith.addf %add3A_358, %get3A_363 : vector<16xf32>
        %get3A_365 = arith.constant 35 : i32
        %get3A_366 = arith.index_cast %get3A_365 : i32 to index
        %get3A_367 = arith.index_cast %mul3A_160 : i32 to index
        %get3A_368 = tpu.vector_load %arg6[%get3A_366, %get3A_367] {strides = array<i32>} : memref<40x1024xf32, #tpu.memory_space<vmem>>, vector<1x16xf32>,
        %get3A_369 = vector.shape_cast %get3A_368 : vector<1x16xf32> to vector<16xf32>
        %add3A_370 = arith.addf %add3A_364, %get3A_369 : vector<16xf32>
        %get3A_371 = arith.constant 36 : i32
        %get3A_372 = arith.index_cast %get3A_371 : i32 to index
        %get3A_373 = arith.index_cast %mul3A_160 : i32 to index
        %get3A_374 = tpu.vector_load %arg6[%get3A_372, %get3A_373] {strides = array<i32>} : memref<40x1024xf32, #tpu.memory_space<vmem>>, vector<1x16xf32>,
        %get3A_375 = vector.shape_cast %get3A_374 : vector<1x16xf32> to vector<16xf32>
        %add3A_376 = arith.addf %add3A_370, %get3A_375 : vector<16xf32>
        %get3A_377 = arith.constant 37 : i32
        %get3A_378 = arith.index_cast %get3A_377 : i32 to index
        %get3A_379 = arith.index_cast %mul3A_160 : i32 to index
        %get3A_380 = tpu.vector_load %arg6[%get3A_378, %get3A_379] {strides = array<i32>} : memref<40x1024xf32, #tpu.memory_space<vmem>>, vector<1x16xf32>,
        %get3A_381 = vector.shape_cast %get3A_380 : vector<1x16xf32> to vector<16xf32>
        %add3A_382 = arith.addf %add3A_376, %get3A_381 : vector<16xf32>
        %get3A_383 = arith.constant 38 : i32
        %get3A_384 = arith.index_cast %get3A_383 : i32 to index
        %get3A_385 = arith.index_cast %mul3A_160 : i32 to index
        %get3A_386 = tpu.vector_load %arg6[%get3A_384, %get3A_385] {strides = array<i32>} : memref<40x1024xf32, #tpu.memory_space<vmem>>, vector<1x16xf32>,
        %get3A_387 = vector.shape_cast %get3A_386 : vector<1x16xf32> to vector<16xf32>
        %add3A_388 = arith.addf %add3A_382, %get3A_387 : vector<16xf32>
        %swap3A_389 = arith.constant 3 : i32
        %swap3A_390 = arith.index_cast %swap3A_389 : i32 to index
        %swap3A_391 = arith.index_cast %mul3A_160 : i32 to index
        %swap3A_392 = tpu.vector_load %arg8[%swap3A_390, %swap3A_391] {strides = array<i32>} : memref<8x1024xf32, #tpu.memory_space<vmem>>, vector<1x16xf32>,
        %swap3A_393 = vector.shape_cast %swap3A_392 : vector<1x16xf32> to vector<16xf32>
        %swap3A_394 = vector.shape_cast %add3A_388 : vector<16xf32> to vector<1x16xf32>
        tpu.vector_store %arg8[%swap3A_390, %swap3A_391], %swap3A_394 {strides = array<i32>} : memref<8x1024xf32, #tpu.memory_space<vmem>>, vector<1x16xf32>,
      }
      %scan3A_51 = arith.constant 64 : i32
      %mul3A_52 = arith.constant 4 : i32
      %mul3A_53 = arith.muli %mul3A_52, %scan3A_25 : i32
      %add3A_54 = arith.constant 0 : i32
      %add3A_55 = arith.addi %mul3A_53, %add3A_54 : i32
      %add3A_56 = arith.constant 1 : i32
      %add3A_57 = arith.addi %add3A_55, %add3A_56 : i32
      %add3A_58 = arith.constant 1 : i32
      %add3A_59 = arith.addi %add3A_57, %add3A_58 : i32
      %lt3A_60 = arith.constant 128 : i32
      %lt3A_61 = arith.cmpi slt, %add3A_59, %lt3A_60 : i32
      %convert_element_type3A_62 = arith.extui %lt3A_61 : i1 to i32
      %cond3A_63 = arith.constant 0 : i32
      %cond3A_64 = arith.cmpi ne, %convert_element_type3A_62, %cond3A_63 : i32
      scf.if %cond3A_64 {
        %add3A_158 = arith.constant 1 : i32
        %add3A_159 = arith.addi %add3A_57, %add3A_158 : i32
        %mul3A_160 = arith.constant 40 : i32
        %mul3A_161 = arith.muli %add3A_159, %mul3A_160 : i32
        %dma_start3A_162 = tpu.memref_slice %arg5[%mul3A_161] : memref<5120xi32, #tpu.memory_space<vmem>> -> memref<40xi32, #tpu.memory_space<vmem>>
        %dma_start3A_163 = arith.constant 0 : i32
        %dma_start3A_164 = arith.constant 0 : i32
        %dma_start3A_165 = tpu.memref_slice %arg3[%dma_start3A_163, %dma_start3A_164] : memref<4608x1024xf32, #tpu.memory_space<hbm>> -> memref<4608x1024xf32, #tpu.memory_space<hbm>>
        tpu.enqueue_indirect_dma source(%dma_start3A_165 : memref<4608x1024xf32, #tpu.memory_space<hbm>>) target(%arg6 : memref<40x1024xf32, #tpu.memory_space<vmem>>) offsets(%dma_start3A_162 : memref<40xi32, #tpu.memory_space<vmem>>) semaphore(%arg10 : memref<!tpu.dma_semaphore, #tpu.memory_space<semaphore_mem>>)
      } else {
      }
      %dma_wait3A_65 = arith.constant 0 : i32
      %dma_wait3A_66 = arith.constant 0 : i32
      %dma_wait3A_67 = tpu.memref_slice %arg3[%dma_wait3A_65, %dma_wait3A_66] : memref<4608x1024xf32, #tpu.memory_space<hbm>> -> memref<40x1024xf32, #tpu.memory_space<hbm>>
      %dma_wait3A_68 = arith.constant 0 : i32
      %dma_wait3A_69 = arith.constant 0 : i32
      %dma_wait3A_70 = tpu.memref_slice %arg3[%dma_wait3A_68, %dma_wait3A_69] : memref<4608x1024xf32, #tpu.memory_space<hbm>> -> memref<40x1024xf32, #tpu.memory_space<hbm>>
      tpu.wait_dma2 semaphore(%arg11 : memref<!tpu.dma_semaphore, #tpu.memory_space<semaphore_mem>>) src(%dma_wait3A_70 : memref<40x1024xf32, #tpu.memory_space<hbm>>) dst(%arg7 : memref<40x1024xf32, #tpu.memory_space<vmem>>)
      %scan3A_71 = arith.constant 0 : i32
      %scan3A_72 = arith.constant 0 : i32
      %scan3A_73 = arith.constant 64 : i32
      %scan3A_74 = arith.addi %scan3A_72, %scan3A_73 : i32
      %scan3A_75 = arith.constant 1 : i32
      scf.for %scan3A_158 = %scan3A_72 to %scan3A_74 step %scan3A_75  : i32 {
        %mul3A_159 = arith.constant 16 : i32
        %mul3A_160 = arith.muli %scan3A_158, %mul3A_159 : i32
        %get3A = arith.constant 0 : i32
        %get3A_161 = arith.index_cast %get3A : i32 to index
        %get3A_162 = arith.index_cast %mul3A_160 : i32 to index
        %get3A_163 = tpu.vector_load %arg7[%get3A_161, %get3A_162] {strides = array<i32>} : memref<40x1024xf32, #tpu.memory_space<vmem>>, vector<1x16xf32>,
        %get3A_164 = vector.shape_cast %get3A_163 : vector<1x16xf32> to vector<16xf32>
        %get3A_165 = arith.constant 1 : i32
        %get3A_166 = arith.index_cast %get3A_165 : i32 to index
        %get3A_167 = arith.index_cast %mul3A_160 : i32 to index
        %get3A_168 = tpu.vector_load %arg7[%get3A_166, %get3A_167] {strides = array<i32>} : memref<40x1024xf32, #tpu.memory_space<vmem>>, vector<1x16xf32>,
        %get3A_169 = vector.shape_cast %get3A_168 : vector<1x16xf32> to vector<16xf32>
        %add3A_170 = arith.addf %get3A_164, %get3A_169 : vector<16xf32>
        %get3A_171 = arith.constant 2 : i32
        %get3A_172 = arith.index_cast %get3A_171 : i32 to index
        %get3A_173 = arith.index_cast %mul3A_160 : i32 to index
        %get3A_174 = tpu.vector_load %arg7[%get3A_172, %get3A_173] {strides = array<i32>} : memref<40x1024xf32, #tpu.memory_space<vmem>>, vector<1x16xf32>,
        %get3A_175 = vector.shape_cast %get3A_174 : vector<1x16xf32> to vector<16xf32>
        %add3A_176 = arith.addf %add3A_170, %get3A_175 : vector<16xf32>
        %get3A_177 = arith.constant 3 : i32
        %get3A_178 = arith.index_cast %get3A_177 : i32 to index
        %get3A_179 = arith.index_cast %mul3A_160 : i32 to index
        %get3A_180 = tpu.vector_load %arg7[%get3A_178, %get3A_179] {strides = array<i32>} : memref<40x1024xf32, #tpu.memory_space<vmem>>, vector<1x16xf32>,
        %get3A_181 = vector.shape_cast %get3A_180 : vector<1x16xf32> to vector<16xf32>
        %add3A_182 = arith.addf %add3A_176, %get3A_181 : vector<16xf32>
        %get3A_183 = arith.constant 4 : i32
        %get3A_184 = arith.index_cast %get3A_183 : i32 to index
        %get3A_185 = arith.index_cast %mul3A_160 : i32 to index
        %get3A_186 = tpu.vector_load %arg7[%get3A_184, %get3A_185] {strides = array<i32>} : memref<40x1024xf32, #tpu.memory_space<vmem>>, vector<1x16xf32>,
        %get3A_187 = vector.shape_cast %get3A_186 : vector<1x16xf32> to vector<16xf32>
        %add3A_188 = arith.addf %add3A_182, %get3A_187 : vector<16xf32>
        %get3A_189 = arith.constant 5 : i32
        %get3A_190 = arith.index_cast %get3A_189 : i32 to index
        %get3A_191 = arith.index_cast %mul3A_160 : i32 to index
        %get3A_192 = tpu.vector_load %arg7[%get3A_190, %get3A_191] {strides = array<i32>} : memref<40x1024xf32, #tpu.memory_space<vmem>>, vector<1x16xf32>,
        %get3A_193 = vector.shape_cast %get3A_192 : vector<1x16xf32> to vector<16xf32>
        %add3A_194 = arith.addf %add3A_188, %get3A_193 : vector<16xf32>
        %get3A_195 = arith.constant 6 : i32
        %get3A_196 = arith.index_cast %get3A_195 : i32 to index
        %get3A_197 = arith.index_cast %mul3A_160 : i32 to index
        %get3A_198 = tpu.vector_load %arg7[%get3A_196, %get3A_197] {strides = array<i32>} : memref<40x1024xf32, #tpu.memory_space<vmem>>, vector<1x16xf32>,
        %get3A_199 = vector.shape_cast %get3A_198 : vector<1x16xf32> to vector<16xf32>
        %add3A_200 = arith.addf %add3A_194, %get3A_199 : vector<16xf32>
        %get3A_201 = arith.constant 7 : i32
        %get3A_202 = arith.index_cast %get3A_201 : i32 to index
        %get3A_203 = arith.index_cast %mul3A_160 : i32 to index
        %get3A_204 = tpu.vector_load %arg7[%get3A_202, %get3A_203] {strides = array<i32>} : memref<40x1024xf32, #tpu.memory_space<vmem>>, vector<1x16xf32>,
        %get3A_205 = vector.shape_cast %get3A_204 : vector<1x16xf32> to vector<16xf32>
        %add3A_206 = arith.addf %add3A_200, %get3A_205 : vector<16xf32>
        %get3A_207 = arith.constant 8 : i32
        %get3A_208 = arith.index_cast %get3A_207 : i32 to index
        %get3A_209 = arith.index_cast %mul3A_160 : i32 to index
        %get3A_210 = tpu.vector_load %arg7[%get3A_208, %get3A_209] {strides = array<i32>} : memref<40x1024xf32, #tpu.memory_space<vmem>>, vector<1x16xf32>,
        %get3A_211 = vector.shape_cast %get3A_210 : vector<1x16xf32> to vector<16xf32>
        %add3A_212 = arith.addf %add3A_206, %get3A_211 : vector<16xf32>
        %swap3A = arith.constant 4 : i32
        %swap3A_213 = arith.index_cast %swap3A : i32 to index
        %swap3A_214 = arith.index_cast %mul3A_160 : i32 to index
        %swap3A_215 = tpu.vector_load %arg8[%swap3A_213, %swap3A_214] {strides = array<i32>} : memref<8x1024xf32, #tpu.memory_space<vmem>>, vector<1x16xf32>,
        %swap3A_216 = vector.shape_cast %swap3A_215 : vector<1x16xf32> to vector<16xf32>
        %swap3A_217 = vector.shape_cast %add3A_212 : vector<16xf32> to vector<1x16xf32>
        tpu.vector_store %arg8[%swap3A_213, %swap3A_214], %swap3A_217 {strides = array<i32>} : memref<8x1024xf32, #tpu.memory_space<vmem>>, vector<1x16xf32>,
        %get3A_218 = arith.constant 10 : i32
        %get3A_219 = arith.index_cast %get3A_218 : i32 to index
        %get3A_220 = arith.index_cast %mul3A_160 : i32 to index
        %get3A_221 = tpu.vector_load %arg7[%get3A_219, %get3A_220] {strides = array<i32>} : memref<40x1024xf32, #tpu.memory_space<vmem>>, vector<1x16xf32>,
        %get3A_222 = vector.shape_cast %get3A_221 : vector<1x16xf32> to vector<16xf32>
        %get3A_223 = arith.constant 11 : i32
        %get3A_224 = arith.index_cast %get3A_223 : i32 to index
        %get3A_225 = arith.index_cast %mul3A_160 : i32 to index
        %get3A_226 = tpu.vector_load %arg7[%get3A_224, %get3A_225] {strides = array<i32>} : memref<40x1024xf32, #tpu.memory_space<vmem>>, vector<1x16xf32>,
        %get3A_227 = vector.shape_cast %get3A_226 : vector<1x16xf32> to vector<16xf32>
        %add3A_228 = arith.addf %get3A_222, %get3A_227 : vector<16xf32>
        %get3A_229 = arith.constant 12 : i32
        %get3A_230 = arith.index_cast %get3A_229 : i32 to index
        %get3A_231 = arith.index_cast %mul3A_160 : i32 to index
        %get3A_232 = tpu.vector_load %arg7[%get3A_230, %get3A_231] {strides = array<i32>} : memref<40x1024xf32, #tpu.memory_space<vmem>>, vector<1x16xf32>,
        %get3A_233 = vector.shape_cast %get3A_232 : vector<1x16xf32> to vector<16xf32>
        %add3A_234 = arith.addf %add3A_228, %get3A_233 : vector<16xf32>
        %get3A_235 = arith.constant 13 : i32
        %get3A_236 = arith.index_cast %get3A_235 : i32 to index
        %get3A_237 = arith.index_cast %mul3A_160 : i32 to index
        %get3A_238 = tpu.vector_load %arg7[%get3A_236, %get3A_237] {strides = array<i32>} : memref<40x1024xf32, #tpu.memory_space<vmem>>, vector<1x16xf32>,
        %get3A_239 = vector.shape_cast %get3A_238 : vector<1x16xf32> to vector<16xf32>
        %add3A_240 = arith.addf %add3A_234, %get3A_239 : vector<16xf32>
        %get3A_241 = arith.constant 14 : i32
        %get3A_242 = arith.index_cast %get3A_241 : i32 to index
        %get3A_243 = arith.index_cast %mul3A_160 : i32 to index
        %get3A_244 = tpu.vector_load %arg7[%get3A_242, %get3A_243] {strides = array<i32>} : memref<40x1024xf32, #tpu.memory_space<vmem>>, vector<1x16xf32>,
        %get3A_245 = vector.shape_cast %get3A_244 : vector<1x16xf32> to vector<16xf32>
        %add3A_246 = arith.addf %add3A_240, %get3A_245 : vector<16xf32>
        %get3A_247 = arith.constant 15 : i32
        %get3A_248 = arith.index_cast %get3A_247 : i32 to index
        %get3A_249 = arith.index_cast %mul3A_160 : i32 to index
        %get3A_250 = tpu.vector_load %arg7[%get3A_248, %get3A_249] {strides = array<i32>} : memref<40x1024xf32, #tpu.memory_space<vmem>>, vector<1x16xf32>,
        %get3A_251 = vector.shape_cast %get3A_250 : vector<1x16xf32> to vector<16xf32>
        %add3A_252 = arith.addf %add3A_246, %get3A_251 : vector<16xf32>
        %get3A_253 = arith.constant 16 : i32
        %get3A_254 = arith.index_cast %get3A_253 : i32 to index
        %get3A_255 = arith.index_cast %mul3A_160 : i32 to index
        %get3A_256 = tpu.vector_load %arg7[%get3A_254, %get3A_255] {strides = array<i32>} : memref<40x1024xf32, #tpu.memory_space<vmem>>, vector<1x16xf32>,
        %get3A_257 = vector.shape_cast %get3A_256 : vector<1x16xf32> to vector<16xf32>
        %add3A_258 = arith.addf %add3A_252, %get3A_257 : vector<16xf32>
        %get3A_259 = arith.constant 17 : i32
        %get3A_260 = arith.index_cast %get3A_259 : i32 to index
        %get3A_261 = arith.index_cast %mul3A_160 : i32 to index
        %get3A_262 = tpu.vector_load %arg7[%get3A_260, %get3A_261] {strides = array<i32>} : memref<40x1024xf32, #tpu.memory_space<vmem>>, vector<1x16xf32>,
        %get3A_263 = vector.shape_cast %get3A_262 : vector<1x16xf32> to vector<16xf32>
        %add3A_264 = arith.addf %add3A_258, %get3A_263 : vector<16xf32>
        %get3A_265 = arith.constant 18 : i32
        %get3A_266 = arith.index_cast %get3A_265 : i32 to index
        %get3A_267 = arith.index_cast %mul3A_160 : i32 to index
        %get3A_268 = tpu.vector_load %arg7[%get3A_266, %get3A_267] {strides = array<i32>} : memref<40x1024xf32, #tpu.memory_space<vmem>>, vector<1x16xf32>,
        %get3A_269 = vector.shape_cast %get3A_268 : vector<1x16xf32> to vector<16xf32>
        %add3A_270 = arith.addf %add3A_264, %get3A_269 : vector<16xf32>
        %swap3A_271 = arith.constant 5 : i32
        %swap3A_272 = arith.index_cast %swap3A_271 : i32 to index
        %swap3A_273 = arith.index_cast %mul3A_160 : i32 to index
        %swap3A_274 = tpu.vector_load %arg8[%swap3A_272, %swap3A_273] {strides = array<i32>} : memref<8x1024xf32, #tpu.memory_space<vmem>>, vector<1x16xf32>,
        %swap3A_275 = vector.shape_cast %swap3A_274 : vector<1x16xf32> to vector<16xf32>
        %swap3A_276 = vector.shape_cast %add3A_270 : vector<16xf32> to vector<1x16xf32>
        tpu.vector_store %arg8[%swap3A_272, %swap3A_273], %swap3A_276 {strides = array<i32>} : memref<8x1024xf32, #tpu.memory_space<vmem>>, vector<1x16xf32>,
        %get3A_277 = arith.constant 20 : i32
        %get3A_278 = arith.index_cast %get3A_277 : i32 to index
        %get3A_279 = arith.index_cast %mul3A_160 : i32 to index
        %get3A_280 = tpu.vector_load %arg7[%get3A_278, %get3A_279] {strides = array<i32>} : memref<40x1024xf32, #tpu.memory_space<vmem>>, vector<1x16xf32>,
        %get3A_281 = vector.shape_cast %get3A_280 : vector<1x16xf32> to vector<16xf32>
        %get3A_282 = arith.constant 21 : i32
        %get3A_283 = arith.index_cast %get3A_282 : i32 to index
        %get3A_284 = arith.index_cast %mul3A_160 : i32 to index
        %get3A_285 = tpu.vector_load %arg7[%get3A_283, %get3A_284] {strides = array<i32>} : memref<40x1024xf32, #tpu.memory_space<vmem>>, vector<1x16xf32>,
        %get3A_286 = vector.shape_cast %get3A_285 : vector<1x16xf32> to vector<16xf32>
        %add3A_287 = arith.addf %get3A_281, %get3A_286 : vector<16xf32>
        %get3A_288 = arith.constant 22 : i32
        %get3A_289 = arith.index_cast %get3A_288 : i32 to index
        %get3A_290 = arith.index_cast %mul3A_160 : i32 to index
        %get3A_291 = tpu.vector_load %arg7[%get3A_289, %get3A_290] {strides = array<i32>} : memref<40x1024xf32, #tpu.memory_space<vmem>>, vector<1x16xf32>,
        %get3A_292 = vector.shape_cast %get3A_291 : vector<1x16xf32> to vector<16xf32>
        %add3A_293 = arith.addf %add3A_287, %get3A_292 : vector<16xf32>
        %get3A_294 = arith.constant 23 : i32
        %get3A_295 = arith.index_cast %get3A_294 : i32 to index
        %get3A_296 = arith.index_cast %mul3A_160 : i32 to index
        %get3A_297 = tpu.vector_load %arg7[%get3A_295, %get3A_296] {strides = array<i32>} : memref<40x1024xf32, #tpu.memory_space<vmem>>, vector<1x16xf32>,
        %get3A_298 = vector.shape_cast %get3A_297 : vector<1x16xf32> to vector<16xf32>
        %add3A_299 = arith.addf %add3A_293, %get3A_298 : vector<16xf32>
        %get3A_300 = arith.constant 24 : i32
        %get3A_301 = arith.index_cast %get3A_300 : i32 to index
        %get3A_302 = arith.index_cast %mul3A_160 : i32 to index
        %get3A_303 = tpu.vector_load %arg7[%get3A_301, %get3A_302] {strides = array<i32>} : memref<40x1024xf32, #tpu.memory_space<vmem>>, vector<1x16xf32>,
        %get3A_304 = vector.shape_cast %get3A_303 : vector<1x16xf32> to vector<16xf32>
        %add3A_305 = arith.addf %add3A_299, %get3A_304 : vector<16xf32>
        %get3A_306 = arith.constant 25 : i32
        %get3A_307 = arith.index_cast %get3A_306 : i32 to index
        %get3A_308 = arith.index_cast %mul3A_160 : i32 to index
        %get3A_309 = tpu.vector_load %arg7[%get3A_307, %get3A_308] {strides = array<i32>} : memref<40x1024xf32, #tpu.memory_space<vmem>>, vector<1x16xf32>,
        %get3A_310 = vector.shape_cast %get3A_309 : vector<1x16xf32> to vector<16xf32>
        %add3A_311 = arith.addf %add3A_305, %get3A_310 : vector<16xf32>
        %get3A_312 = arith.constant 26 : i32
        %get3A_313 = arith.index_cast %get3A_312 : i32 to index
        %get3A_314 = arith.index_cast %mul3A_160 : i32 to index
        %get3A_315 = tpu.vector_load %arg7[%get3A_313, %get3A_314] {strides = array<i32>} : memref<40x1024xf32, #tpu.memory_space<vmem>>, vector<1x16xf32>,
        %get3A_316 = vector.shape_cast %get3A_315 : vector<1x16xf32> to vector<16xf32>
        %add3A_317 = arith.addf %add3A_311, %get3A_316 : vector<16xf32>
        %get3A_318 = arith.constant 27 : i32
        %get3A_319 = arith.index_cast %get3A_318 : i32 to index
        %get3A_320 = arith.index_cast %mul3A_160 : i32 to index
        %get3A_321 = tpu.vector_load %arg7[%get3A_319, %get3A_320] {strides = array<i32>} : memref<40x1024xf32, #tpu.memory_space<vmem>>, vector<1x16xf32>,
        %get3A_322 = vector.shape_cast %get3A_321 : vector<1x16xf32> to vector<16xf32>
        %add3A_323 = arith.addf %add3A_317, %get3A_322 : vector<16xf32>
        %get3A_324 = arith.constant 28 : i32
        %get3A_325 = arith.index_cast %get3A_324 : i32 to index
        %get3A_326 = arith.index_cast %mul3A_160 : i32 to index
        %get3A_327 = tpu.vector_load %arg7[%get3A_325, %get3A_326] {strides = array<i32>} : memref<40x1024xf32, #tpu.memory_space<vmem>>, vector<1x16xf32>,
        %get3A_328 = vector.shape_cast %get3A_327 : vector<1x16xf32> to vector<16xf32>
        %add3A_329 = arith.addf %add3A_323, %get3A_328 : vector<16xf32>
        %swap3A_330 = arith.constant 6 : i32
        %swap3A_331 = arith.index_cast %swap3A_330 : i32 to index
        %swap3A_332 = arith.index_cast %mul3A_160 : i32 to index
        %swap3A_333 = tpu.vector_load %arg8[%swap3A_331, %swap3A_332] {strides = array<i32>} : memref<8x1024xf32, #tpu.memory_space<vmem>>, vector<1x16xf32>,
        %swap3A_334 = vector.shape_cast %swap3A_333 : vector<1x16xf32> to vector<16xf32>
        %swap3A_335 = vector.shape_cast %add3A_329 : vector<16xf32> to vector<1x16xf32>
        tpu.vector_store %arg8[%swap3A_331, %swap3A_332], %swap3A_335 {strides = array<i32>} : memref<8x1024xf32, #tpu.memory_space<vmem>>, vector<1x16xf32>,
        %get3A_336 = arith.constant 30 : i32
        %get3A_337 = arith.index_cast %get3A_336 : i32 to index
        %get3A_338 = arith.index_cast %mul3A_160 : i32 to index
        %get3A_339 = tpu.vector_load %arg7[%get3A_337, %get3A_338] {strides = array<i32>} : memref<40x1024xf32, #tpu.memory_space<vmem>>, vector<1x16xf32>,
        %get3A_340 = vector.shape_cast %get3A_339 : vector<1x16xf32> to vector<16xf32>
        %get3A_341 = arith.constant 31 : i32
        %get3A_342 = arith.index_cast %get3A_341 : i32 to index
        %get3A_343 = arith.index_cast %mul3A_160 : i32 to index
        %get3A_344 = tpu.vector_load %arg7[%get3A_342, %get3A_343] {strides = array<i32>} : memref<40x1024xf32, #tpu.memory_space<vmem>>, vector<1x16xf32>,
        %get3A_345 = vector.shape_cast %get3A_344 : vector<1x16xf32> to vector<16xf32>
        %add3A_346 = arith.addf %get3A_340, %get3A_345 : vector<16xf32>
        %get3A_347 = arith.constant 32 : i32
        %get3A_348 = arith.index_cast %get3A_347 : i32 to index
        %get3A_349 = arith.index_cast %mul3A_160 : i32 to index
        %get3A_350 = tpu.vector_load %arg7[%get3A_348, %get3A_349] {strides = array<i32>} : memref<40x1024xf32, #tpu.memory_space<vmem>>, vector<1x16xf32>,
        %get3A_351 = vector.shape_cast %get3A_350 : vector<1x16xf32> to vector<16xf32>
        %add3A_352 = arith.addf %add3A_346, %get3A_351 : vector<16xf32>
        %get3A_353 = arith.constant 33 : i32
        %get3A_354 = arith.index_cast %get3A_353 : i32 to index
        %get3A_355 = arith.index_cast %mul3A_160 : i32 to index
        %get3A_356 = tpu.vector_load %arg7[%get3A_354, %get3A_355] {strides = array<i32>} : memref<40x1024xf32, #tpu.memory_space<vmem>>, vector<1x16xf32>,
        %get3A_357 = vector.shape_cast %get3A_356 : vector<1x16xf32> to vector<16xf32>
        %add3A_358 = arith.addf %add3A_352, %get3A_357 : vector<16xf32>
        %get3A_359 = arith.constant 34 : i32
        %get3A_360 = arith.index_cast %get3A_359 : i32 to index
        %get3A_361 = arith.index_cast %mul3A_160 : i32 to index
        %get3A_362 = tpu.vector_load %arg7[%get3A_360, %get3A_361] {strides = array<i32>} : memref<40x1024xf32, #tpu.memory_space<vmem>>, vector<1x16xf32>,
        %get3A_363 = vector.shape_cast %get3A_362 : vector<1x16xf32> to vector<16xf32>
        %add3A_364 = arith.addf %add3A_358, %get3A_363 : vector<16xf32>
        %get3A_365 = arith.constant 35 : i32
        %get3A_366 = arith.index_cast %get3A_365 : i32 to index
        %get3A_367 = arith.index_cast %mul3A_160 : i32 to index
        %get3A_368 = tpu.vector_load %arg7[%get3A_366, %get3A_367] {strides = array<i32>} : memref<40x1024xf32, #tpu.memory_space<vmem>>, vector<1x16xf32>,
        %get3A_369 = vector.shape_cast %get3A_368 : vector<1x16xf32> to vector<16xf32>
        %add3A_370 = arith.addf %add3A_364, %get3A_369 : vector<16xf32>
        %get3A_371 = arith.constant 36 : i32
        %get3A_372 = arith.index_cast %get3A_371 : i32 to index
        %get3A_373 = arith.index_cast %mul3A_160 : i32 to index
        %get3A_374 = tpu.vector_load %arg7[%get3A_372, %get3A_373] {strides = array<i32>} : memref<40x1024xf32, #tpu.memory_space<vmem>>, vector<1x16xf32>,
        %get3A_375 = vector.shape_cast %get3A_374 : vector<1x16xf32> to vector<16xf32>
        %add3A_376 = arith.addf %add3A_370, %get3A_375 : vector<16xf32>
        %get3A_377 = arith.constant 37 : i32
        %get3A_378 = arith.index_cast %get3A_377 : i32 to index
        %get3A_379 = arith.index_cast %mul3A_160 : i32 to index
        %get3A_380 = tpu.vector_load %arg7[%get3A_378, %get3A_379] {strides = array<i32>} : memref<40x1024xf32, #tpu.memory_space<vmem>>, vector<1x16xf32>,
        %get3A_381 = vector.shape_cast %get3A_380 : vector<1x16xf32> to vector<16xf32>
        %add3A_382 = arith.addf %add3A_376, %get3A_381 : vector<16xf32>
        %get3A_383 = arith.constant 38 : i32
        %get3A_384 = arith.index_cast %get3A_383 : i32 to index
        %get3A_385 = arith.index_cast %mul3A_160 : i32 to index
        %get3A_386 = tpu.vector_load %arg7[%get3A_384, %get3A_385] {strides = array<i32>} : memref<40x1024xf32, #tpu.memory_space<vmem>>, vector<1x16xf32>,
        %get3A_387 = vector.shape_cast %get3A_386 : vector<1x16xf32> to vector<16xf32>
        %add3A_388 = arith.addf %add3A_382, %get3A_387 : vector<16xf32>
        %swap3A_389 = arith.constant 7 : i32
        %swap3A_390 = arith.index_cast %swap3A_389 : i32 to index
        %swap3A_391 = arith.index_cast %mul3A_160 : i32 to index
        %swap3A_392 = tpu.vector_load %arg8[%swap3A_390, %swap3A_391] {strides = array<i32>} : memref<8x1024xf32, #tpu.memory_space<vmem>>, vector<1x16xf32>,
        %swap3A_393 = vector.shape_cast %swap3A_392 : vector<1x16xf32> to vector<16xf32>
        %swap3A_394 = vector.shape_cast %add3A_388 : vector<16xf32> to vector<1x16xf32>
        tpu.vector_store %arg8[%swap3A_390, %swap3A_391], %swap3A_394 {strides = array<i32>} : memref<8x1024xf32, #tpu.memory_space<vmem>>, vector<1x16xf32>,
      }
      %scan3A_76 = arith.constant 64 : i32
      %mul3A_77 = arith.constant 512 : i32
      %mul3A_78 = arith.muli %add3A, %mul3A_77 : i32
      %mul3A_79 = arith.constant 4 : i32
      %mul3A_80 = arith.muli %mul3A_79, %scan3A_25 : i32
      %add3A_81 = arith.constant 0 : i32
      %add3A_82 = arith.addi %mul3A_80, %add3A_81 : i32
      %mul3A_83 = arith.constant 4 : i32
      %mul3A_84 = arith.muli %add3A_82, %mul3A_83 : i32
      %add3A_85 = arith.addi %mul3A_78, %mul3A_84 : i32
      %dma_start3A_86 = arith.constant 0 : i32
      %dma_start3A_87 = tpu.memref_slice %arg4[%add3A_85, %dma_start3A_86] : memref<16384x1024xf32, #tpu.memory_space<hbm>> -> memref<8x1024xf32, #tpu.memory_space<hbm>>
      %dma_start3A_88 = arith.constant 0 : i32
      %dma_start3A_89 = tpu.memref_slice %arg4[%add3A_85, %dma_start3A_88] : memref<16384x1024xf32, #tpu.memory_space<hbm>> -> memref<8x1024xf32, #tpu.memory_space<hbm>>
      tpu.enqueue_dma source(%arg8 : memref<8x1024xf32, #tpu.memory_space<vmem>>) target(%dma_start3A_89 : memref<8x1024xf32, #tpu.memory_space<hbm>>) target_semaphore(%arg12 : memref<!tpu.dma_semaphore, #tpu.memory_space<semaphore_mem>>)
      %mul3A_90 = arith.constant 4 : i32
      %mul3A_91 = arith.muli %mul3A_90, %scan3A_25 : i32
      %add3A_92 = arith.constant 2 : i32
      %add3A_93 = arith.addi %mul3A_91, %add3A_92 : i32
      %add3A_94 = arith.constant 0 : i32
      %add3A_95 = arith.addi %add3A_93, %add3A_94 : i32
      %add3A_96 = arith.constant 1 : i32
      %add3A_97 = arith.addi %add3A_95, %add3A_96 : i32
      %lt3A_98 = arith.constant 128 : i32
      %lt3A_99 = arith.cmpi slt, %add3A_97, %lt3A_98 : i32
      %convert_element_type3A_100 = arith.extui %lt3A_99 : i1 to i32
      %cond3A_101 = arith.constant 0 : i32
      %cond3A_102 = arith.cmpi ne, %convert_element_type3A_100, %cond3A_101 : i32
      scf.if %cond3A_102 {
        %add3A_158 = arith.constant 1 : i32
        %add3A_159 = arith.addi %add3A_95, %add3A_158 : i32
        %mul3A_160 = arith.constant 40 : i32
        %mul3A_161 = arith.muli %add3A_159, %mul3A_160 : i32
        %dma_start3A_162 = tpu.memref_slice %arg5[%mul3A_161] : memref<5120xi32, #tpu.memory_space<vmem>> -> memref<40xi32, #tpu.memory_space<vmem>>
        %dma_start3A_163 = arith.constant 0 : i32
        %dma_start3A_164 = arith.constant 0 : i32
        %dma_start3A_165 = tpu.memref_slice %arg3[%dma_start3A_163, %dma_start3A_164] : memref<4608x1024xf32, #tpu.memory_space<hbm>> -> memref<4608x1024xf32, #tpu.memory_space<hbm>>
        tpu.enqueue_indirect_dma source(%dma_start3A_165 : memref<4608x1024xf32, #tpu.memory_space<hbm>>) target(%arg7 : memref<40x1024xf32, #tpu.memory_space<vmem>>) offsets(%dma_start3A_162 : memref<40xi32, #tpu.memory_space<vmem>>) semaphore(%arg11 : memref<!tpu.dma_semaphore, #tpu.memory_space<semaphore_mem>>)
      } else {
      }
      %ge3A_103 = arith.constant 1 : i32
      %ge3A_104 = arith.cmpi sge, %scan3A_25, %ge3A_103 : i32
      %convert_element_type3A_105 = arith.extui %ge3A_104 : i1 to i32
      %cond3A_106 = arith.constant 0 : i32
      %cond3A_107 = arith.cmpi ne, %convert_element_type3A_105, %cond3A_106 : i32
      scf.if %cond3A_107 {
        %dma_wait3A_158 = arith.constant 0 : i32
        %dma_wait3A_159 = arith.constant 0 : i32
        %dma_wait3A_160 = tpu.memref_slice %arg4[%dma_wait3A_158, %dma_wait3A_159] : memref<16384x1024xf32, #tpu.memory_space<hbm>> -> memref<8x1024xf32, #tpu.memory_space<hbm>>
        %dma_wait3A_161 = arith.constant 0 : i32
        %dma_wait3A_162 = arith.constant 0 : i32
        %dma_wait3A_163 = tpu.memref_slice %arg4[%dma_wait3A_161, %dma_wait3A_162] : memref<16384x1024xf32, #tpu.memory_space<hbm>> -> memref<8x1024xf32, #tpu.memory_space<hbm>>
        tpu.wait_dma2 semaphore(%arg13 : memref<!tpu.dma_semaphore, #tpu.memory_space<semaphore_mem>>) src(%arg9 : memref<8x1024xf32, #tpu.memory_space<vmem>>) dst(%dma_wait3A_163 : memref<8x1024xf32, #tpu.memory_space<hbm>>)
      } else {
      }
      %dma_wait3A_108 = arith.constant 0 : i32
      %dma_wait3A_109 = arith.constant 0 : i32
      %dma_wait3A_110 = tpu.memref_slice %arg3[%dma_wait3A_108, %dma_wait3A_109] : memref<4608x1024xf32, #tpu.memory_space<hbm>> -> memref<40x1024xf32, #tpu.memory_space<hbm>>
      %dma_wait3A_111 = arith.constant 0 : i32
      %dma_wait3A_112 = arith.constant 0 : i32
      %dma_wait3A_113 = tpu.memref_slice %arg3[%dma_wait3A_111, %dma_wait3A_112] : memref<4608x1024xf32, #tpu.memory_space<hbm>> -> memref<40x1024xf32, #tpu.memory_space<hbm>>
      tpu.wait_dma2 semaphore(%arg10 : memref<!tpu.dma_semaphore, #tpu.memory_space<semaphore_mem>>) src(%dma_wait3A_113 : memref<40x1024xf32, #tpu.memory_space<hbm>>) dst(%arg6 : memref<40x1024xf32, #tpu.memory_space<vmem>>)
      %scan3A_114 = arith.constant 0 : i32
      %scan3A_115 = arith.constant 0 : i32
      %scan3A_116 = arith.constant 64 : i32
      %scan3A_117 = arith.addi %scan3A_115, %scan3A_116 : i32
      %scan3A_118 = arith.constant 1 : i32
      scf.for %scan3A_158 = %scan3A_115 to %scan3A_117 step %scan3A_118  : i32 {
        %mul3A_159 = arith.constant 16 : i32
        %mul3A_160 = arith.muli %scan3A_158, %mul3A_159 : i32
        %get3A = arith.constant 0 : i32
        %get3A_161 = arith.index_cast %get3A : i32 to index
        %get3A_162 = arith.index_cast %mul3A_160 : i32 to index
        %get3A_163 = tpu.vector_load %arg6[%get3A_161, %get3A_162] {strides = array<i32>} : memref<40x1024xf32, #tpu.memory_space<vmem>>, vector<1x16xf32>,
        %get3A_164 = vector.shape_cast %get3A_163 : vector<1x16xf32> to vector<16xf32>
        %get3A_165 = arith.constant 1 : i32
        %get3A_166 = arith.index_cast %get3A_165 : i32 to index
        %get3A_167 = arith.index_cast %mul3A_160 : i32 to index
        %get3A_168 = tpu.vector_load %arg6[%get3A_166, %get3A_167] {strides = array<i32>} : memref<40x1024xf32, #tpu.memory_space<vmem>>, vector<1x16xf32>,
        %get3A_169 = vector.shape_cast %get3A_168 : vector<1x16xf32> to vector<16xf32>
        %add3A_170 = arith.addf %get3A_164, %get3A_169 : vector<16xf32>
        %get3A_171 = arith.constant 2 : i32
        %get3A_172 = arith.index_cast %get3A_171 : i32 to index
        %get3A_173 = arith.index_cast %mul3A_160 : i32 to index
        %get3A_174 = tpu.vector_load %arg6[%get3A_172, %get3A_173] {strides = array<i32>} : memref<40x1024xf32, #tpu.memory_space<vmem>>, vector<1x16xf32>,
        %get3A_175 = vector.shape_cast %get3A_174 : vector<1x16xf32> to vector<16xf32>
        %add3A_176 = arith.addf %add3A_170, %get3A_175 : vector<16xf32>
        %get3A_177 = arith.constant 3 : i32
        %get3A_178 = arith.index_cast %get3A_177 : i32 to index
        %get3A_179 = arith.index_cast %mul3A_160 : i32 to index
        %get3A_180 = tpu.vector_load %arg6[%get3A_178, %get3A_179] {strides = array<i32>} : memref<40x1024xf32, #tpu.memory_space<vmem>>, vector<1x16xf32>,
        %get3A_181 = vector.shape_cast %get3A_180 : vector<1x16xf32> to vector<16xf32>
        %add3A_182 = arith.addf %add3A_176, %get3A_181 : vector<16xf32>
        %get3A_183 = arith.constant 4 : i32
        %get3A_184 = arith.index_cast %get3A_183 : i32 to index
        %get3A_185 = arith.index_cast %mul3A_160 : i32 to index
        %get3A_186 = tpu.vector_load %arg6[%get3A_184, %get3A_185] {strides = array<i32>} : memref<40x1024xf32, #tpu.memory_space<vmem>>, vector<1x16xf32>,
        %get3A_187 = vector.shape_cast %get3A_186 : vector<1x16xf32> to vector<16xf32>
        %add3A_188 = arith.addf %add3A_182, %get3A_187 : vector<16xf32>
        %get3A_189 = arith.constant 5 : i32
        %get3A_190 = arith.index_cast %get3A_189 : i32 to index
        %get3A_191 = arith.index_cast %mul3A_160 : i32 to index
        %get3A_192 = tpu.vector_load %arg6[%get3A_190, %get3A_191] {strides = array<i32>} : memref<40x1024xf32, #tpu.memory_space<vmem>>, vector<1x16xf32>,
        %get3A_193 = vector.shape_cast %get3A_192 : vector<1x16xf32> to vector<16xf32>
        %add3A_194 = arith.addf %add3A_188, %get3A_193 : vector<16xf32>
        %get3A_195 = arith.constant 6 : i32
        %get3A_196 = arith.index_cast %get3A_195 : i32 to index
        %get3A_197 = arith.index_cast %mul3A_160 : i32 to index
        %get3A_198 = tpu.vector_load %arg6[%get3A_196, %get3A_197] {strides = array<i32>} : memref<40x1024xf32, #tpu.memory_space<vmem>>, vector<1x16xf32>,
        %get3A_199 = vector.shape_cast %get3A_198 : vector<1x16xf32> to vector<16xf32>
        %add3A_200 = arith.addf %add3A_194, %get3A_199 : vector<16xf32>
        %get3A_201 = arith.constant 7 : i32
        %get3A_202 = arith.index_cast %get3A_201 : i32 to index
        %get3A_203 = arith.index_cast %mul3A_160 : i32 to index
        %get3A_204 = tpu.vector_load %arg6[%get3A_202, %get3A_203] {strides = array<i32>} : memref<40x1024xf32, #tpu.memory_space<vmem>>, vector<1x16xf32>,
        %get3A_205 = vector.shape_cast %get3A_204 : vector<1x16xf32> to vector<16xf32>
        %add3A_206 = arith.addf %add3A_200, %get3A_205 : vector<16xf32>
        %get3A_207 = arith.constant 8 : i32
        %get3A_208 = arith.index_cast %get3A_207 : i32 to index
        %get3A_209 = arith.index_cast %mul3A_160 : i32 to index
        %get3A_210 = tpu.vector_load %arg6[%get3A_208, %get3A_209] {strides = array<i32>} : memref<40x1024xf32, #tpu.memory_space<vmem>>, vector<1x16xf32>,
        %get3A_211 = vector.shape_cast %get3A_210 : vector<1x16xf32> to vector<16xf32>
        %add3A_212 = arith.addf %add3A_206, %get3A_211 : vector<16xf32>
        %swap3A = arith.constant 0 : i32
        %swap3A_213 = arith.index_cast %swap3A : i32 to index
        %swap3A_214 = arith.index_cast %mul3A_160 : i32 to index
        %swap3A_215 = tpu.vector_load %arg9[%swap3A_213, %swap3A_214] {strides = array<i32>} : memref<8x1024xf32, #tpu.memory_space<vmem>>, vector<1x16xf32>,
        %swap3A_216 = vector.shape_cast %swap3A_215 : vector<1x16xf32> to vector<16xf32>
        %swap3A_217 = vector.shape_cast %add3A_212 : vector<16xf32> to vector<1x16xf32>
        tpu.vector_store %arg9[%swap3A_213, %swap3A_214], %swap3A_217 {strides = array<i32>} : memref<8x1024xf32, #tpu.memory_space<vmem>>, vector<1x16xf32>,
        %get3A_218 = arith.constant 10 : i32
        %get3A_219 = arith.index_cast %get3A_218 : i32 to index
        %get3A_220 = arith.index_cast %mul3A_160 : i32 to index
        %get3A_221 = tpu.vector_load %arg6[%get3A_219, %get3A_220] {strides = array<i32>} : memref<40x1024xf32, #tpu.memory_space<vmem>>, vector<1x16xf32>,
        %get3A_222 = vector.shape_cast %get3A_221 : vector<1x16xf32> to vector<16xf32>
        %get3A_223 = arith.constant 11 : i32
        %get3A_224 = arith.index_cast %get3A_223 : i32 to index
        %get3A_225 = arith.index_cast %mul3A_160 : i32 to index
        %get3A_226 = tpu.vector_load %arg6[%get3A_224, %get3A_225] {strides = array<i32>} : memref<40x1024xf32, #tpu.memory_space<vmem>>, vector<1x16xf32>,
        %get3A_227 = vector.shape_cast %get3A_226 : vector<1x16xf32> to vector<16xf32>
        %add3A_228 = arith.addf %get3A_222, %get3A_227 : vector<16xf32>
        %get3A_229 = arith.constant 12 : i32
        %get3A_230 = arith.index_cast %get3A_229 : i32 to index
        %get3A_231 = arith.index_cast %mul3A_160 : i32 to index
        %get3A_232 = tpu.vector_load %arg6[%get3A_230, %get3A_231] {strides = array<i32>} : memref<40x1024xf32, #tpu.memory_space<vmem>>, vector<1x16xf32>,
        %get3A_233 = vector.shape_cast %get3A_232 : vector<1x16xf32> to vector<16xf32>
        %add3A_234 = arith.addf %add3A_228, %get3A_233 : vector<16xf32>
        %get3A_235 = arith.constant 13 : i32
        %get3A_236 = arith.index_cast %get3A_235 : i32 to index
        %get3A_237 = arith.index_cast %mul3A_160 : i32 to index
        %get3A_238 = tpu.vector_load %arg6[%get3A_236, %get3A_237] {strides = array<i32>} : memref<40x1024xf32, #tpu.memory_space<vmem>>, vector<1x16xf32>,
        %get3A_239 = vector.shape_cast %get3A_238 : vector<1x16xf32> to vector<16xf32>
        %add3A_240 = arith.addf %add3A_234, %get3A_239 : vector<16xf32>
        %get3A_241 = arith.constant 14 : i32
        %get3A_242 = arith.index_cast %get3A_241 : i32 to index
        %get3A_243 = arith.index_cast %mul3A_160 : i32 to index
        %get3A_244 = tpu.vector_load %arg6[%get3A_242, %get3A_243] {strides = array<i32>} : memref<40x1024xf32, #tpu.memory_space<vmem>>, vector<1x16xf32>,
        %get3A_245 = vector.shape_cast %get3A_244 : vector<1x16xf32> to vector<16xf32>
        %add3A_246 = arith.addf %add3A_240, %get3A_245 : vector<16xf32>
        %get3A_247 = arith.constant 15 : i32
        %get3A_248 = arith.index_cast %get3A_247 : i32 to index
        %get3A_249 = arith.index_cast %mul3A_160 : i32 to index
        %get3A_250 = tpu.vector_load %arg6[%get3A_248, %get3A_249] {strides = array<i32>} : memref<40x1024xf32, #tpu.memory_space<vmem>>, vector<1x16xf32>,
        %get3A_251 = vector.shape_cast %get3A_250 : vector<1x16xf32> to vector<16xf32>
        %add3A_252 = arith.addf %add3A_246, %get3A_251 : vector<16xf32>
        %get3A_253 = arith.constant 16 : i32
        %get3A_254 = arith.index_cast %get3A_253 : i32 to index
        %get3A_255 = arith.index_cast %mul3A_160 : i32 to index
        %get3A_256 = tpu.vector_load %arg6[%get3A_254, %get3A_255] {strides = array<i32>} : memref<40x1024xf32, #tpu.memory_space<vmem>>, vector<1x16xf32>,
        %get3A_257 = vector.shape_cast %get3A_256 : vector<1x16xf32> to vector<16xf32>
        %add3A_258 = arith.addf %add3A_252, %get3A_257 : vector<16xf32>
        %get3A_259 = arith.constant 17 : i32
        %get3A_260 = arith.index_cast %get3A_259 : i32 to index
        %get3A_261 = arith.index_cast %mul3A_160 : i32 to index
        %get3A_262 = tpu.vector_load %arg6[%get3A_260, %get3A_261] {strides = array<i32>} : memref<40x1024xf32, #tpu.memory_space<vmem>>, vector<1x16xf32>,
        %get3A_263 = vector.shape_cast %get3A_262 : vector<1x16xf32> to vector<16xf32>
        %add3A_264 = arith.addf %add3A_258, %get3A_263 : vector<16xf32>
        %get3A_265 = arith.constant 18 : i32
        %get3A_266 = arith.index_cast %get3A_265 : i32 to index
        %get3A_267 = arith.index_cast %mul3A_160 : i32 to index
        %get3A_268 = tpu.vector_load %arg6[%get3A_266, %get3A_267] {strides = array<i32>} : memref<40x1024xf32, #tpu.memory_space<vmem>>, vector<1x16xf32>,
        %get3A_269 = vector.shape_cast %get3A_268 : vector<1x16xf32> to vector<16xf32>
        %add3A_270 = arith.addf %add3A_264, %get3A_269 : vector<16xf32>
        %swap3A_271 = arith.constant 1 : i32
        %swap3A_272 = arith.index_cast %swap3A_271 : i32 to index
        %swap3A_273 = arith.index_cast %mul3A_160 : i32 to index
        %swap3A_274 = tpu.vector_load %arg9[%swap3A_272, %swap3A_273] {strides = array<i32>} : memref<8x1024xf32, #tpu.memory_space<vmem>>, vector<1x16xf32>,
        %swap3A_275 = vector.shape_cast %swap3A_274 : vector<1x16xf32> to vector<16xf32>
        %swap3A_276 = vector.shape_cast %add3A_270 : vector<16xf32> to vector<1x16xf32>
        tpu.vector_store %arg9[%swap3A_272, %swap3A_273], %swap3A_276 {strides = array<i32>} : memref<8x1024xf32, #tpu.memory_space<vmem>>, vector<1x16xf32>,
        %get3A_277 = arith.constant 20 : i32
        %get3A_278 = arith.index_cast %get3A_277 : i32 to index
        %get3A_279 = arith.index_cast %mul3A_160 : i32 to index
        %get3A_280 = tpu.vector_load %arg6[%get3A_278, %get3A_279] {strides = array<i32>} : memref<40x1024xf32, #tpu.memory_space<vmem>>, vector<1x16xf32>,
        %get3A_281 = vector.shape_cast %get3A_280 : vector<1x16xf32> to vector<16xf32>
        %get3A_282 = arith.constant 21 : i32
        %get3A_283 = arith.index_cast %get3A_282 : i32 to index
        %get3A_284 = arith.index_cast %mul3A_160 : i32 to index
        %get3A_285 = tpu.vector_load %arg6[%get3A_283, %get3A_284] {strides = array<i32>} : memref<40x1024xf32, #tpu.memory_space<vmem>>, vector<1x16xf32>,
        %get3A_286 = vector.shape_cast %get3A_285 : vector<1x16xf32> to vector<16xf32>
        %add3A_287 = arith.addf %get3A_281, %get3A_286 : vector<16xf32>
        %get3A_288 = arith.constant 22 : i32
        %get3A_289 = arith.index_cast %get3A_288 : i32 to index
        %get3A_290 = arith.index_cast %mul3A_160 : i32 to index
        %get3A_291 = tpu.vector_load %arg6[%get3A_289, %get3A_290] {strides = array<i32>} : memref<40x1024xf32, #tpu.memory_space<vmem>>, vector<1x16xf32>,
        %get3A_292 = vector.shape_cast %get3A_291 : vector<1x16xf32> to vector<16xf32>
        %add3A_293 = arith.addf %add3A_287, %get3A_292 : vector<16xf32>
        %get3A_294 = arith.constant 23 : i32
        %get3A_295 = arith.index_cast %get3A_294 : i32 to index
        %get3A_296 = arith.index_cast %mul3A_160 : i32 to index
        %get3A_297 = tpu.vector_load %arg6[%get3A_295, %get3A_296] {strides = array<i32>} : memref<40x1024xf32, #tpu.memory_space<vmem>>, vector<1x16xf32>,
        %get3A_298 = vector.shape_cast %get3A_297 : vector<1x16xf32> to vector<16xf32>
        %add3A_299 = arith.addf %add3A_293, %get3A_298 : vector<16xf32>
        %get3A_300 = arith.constant 24 : i32
        %get3A_301 = arith.index_cast %get3A_300 : i32 to index
        %get3A_302 = arith.index_cast %mul3A_160 : i32 to index
        %get3A_303 = tpu.vector_load %arg6[%get3A_301, %get3A_302] {strides = array<i32>} : memref<40x1024xf32, #tpu.memory_space<vmem>>, vector<1x16xf32>,
        %get3A_304 = vector.shape_cast %get3A_303 : vector<1x16xf32> to vector<16xf32>
        %add3A_305 = arith.addf %add3A_299, %get3A_304 : vector<16xf32>
        %get3A_306 = arith.constant 25 : i32
        %get3A_307 = arith.index_cast %get3A_306 : i32 to index
        %get3A_308 = arith.index_cast %mul3A_160 : i32 to index
        %get3A_309 = tpu.vector_load %arg6[%get3A_307, %get3A_308] {strides = array<i32>} : memref<40x1024xf32, #tpu.memory_space<vmem>>, vector<1x16xf32>,
        %get3A_310 = vector.shape_cast %get3A_309 : vector<1x16xf32> to vector<16xf32>
        %add3A_311 = arith.addf %add3A_305, %get3A_310 : vector<16xf32>
        %get3A_312 = arith.constant 26 : i32
        %get3A_313 = arith.index_cast %get3A_312 : i32 to index
        %get3A_314 = arith.index_cast %mul3A_160 : i32 to index
        %get3A_315 = tpu.vector_load %arg6[%get3A_313, %get3A_314] {strides = array<i32>} : memref<40x1024xf32, #tpu.memory_space<vmem>>, vector<1x16xf32>,
        %get3A_316 = vector.shape_cast %get3A_315 : vector<1x16xf32> to vector<16xf32>
        %add3A_317 = arith.addf %add3A_311, %get3A_316 : vector<16xf32>
        %get3A_318 = arith.constant 27 : i32
        %get3A_319 = arith.index_cast %get3A_318 : i32 to index
        %get3A_320 = arith.index_cast %mul3A_160 : i32 to index
        %get3A_321 = tpu.vector_load %arg6[%get3A_319, %get3A_320] {strides = array<i32>} : memref<40x1024xf32, #tpu.memory_space<vmem>>, vector<1x16xf32>,
        %get3A_322 = vector.shape_cast %get3A_321 : vector<1x16xf32> to vector<16xf32>
        %add3A_323 = arith.addf %add3A_317, %get3A_322 : vector<16xf32>
        %get3A_324 = arith.constant 28 : i32
        %get3A_325 = arith.index_cast %get3A_324 : i32 to index
        %get3A_326 = arith.index_cast %mul3A_160 : i32 to index
        %get3A_327 = tpu.vector_load %arg6[%get3A_325, %get3A_326] {strides = array<i32>} : memref<40x1024xf32, #tpu.memory_space<vmem>>, vector<1x16xf32>,
        %get3A_328 = vector.shape_cast %get3A_327 : vector<1x16xf32> to vector<16xf32>
        %add3A_329 = arith.addf %add3A_323, %get3A_328 : vector<16xf32>
        %swap3A_330 = arith.constant 2 : i32
        %swap3A_331 = arith.index_cast %swap3A_330 : i32 to index
        %swap3A_332 = arith.index_cast %mul3A_160 : i32 to index
        %swap3A_333 = tpu.vector_load %arg9[%swap3A_331, %swap3A_332] {strides = array<i32>} : memref<8x1024xf32, #tpu.memory_space<vmem>>, vector<1x16xf32>,
        %swap3A_334 = vector.shape_cast %swap3A_333 : vector<1x16xf32> to vector<16xf32>
        %swap3A_335 = vector.shape_cast %add3A_329 : vector<16xf32> to vector<1x16xf32>
        tpu.vector_store %arg9[%swap3A_331, %swap3A_332], %swap3A_335 {strides = array<i32>} : memref<8x1024xf32, #tpu.memory_space<vmem>>, vector<1x16xf32>,
        %get3A_336 = arith.constant 30 : i32
        %get3A_337 = arith.index_cast %get3A_336 : i32 to index
        %get3A_338 = arith.index_cast %mul3A_160 : i32 to index
        %get3A_339 = tpu.vector_load %arg6[%get3A_337, %get3A_338] {strides = array<i32>} : memref<40x1024xf32, #tpu.memory_space<vmem>>, vector<1x16xf32>,
        %get3A_340 = vector.shape_cast %get3A_339 : vector<1x16xf32> to vector<16xf32>
        %get3A_341 = arith.constant 31 : i32
        %get3A_342 = arith.index_cast %get3A_341 : i32 to index
        %get3A_343 = arith.index_cast %mul3A_160 : i32 to index
        %get3A_344 = tpu.vector_load %arg6[%get3A_342, %get3A_343] {strides = array<i32>} : memref<40x1024xf32, #tpu.memory_space<vmem>>, vector<1x16xf32>,
        %get3A_345 = vector.shape_cast %get3A_344 : vector<1x16xf32> to vector<16xf32>
        %add3A_346 = arith.addf %get3A_340, %get3A_345 : vector<16xf32>
        %get3A_347 = arith.constant 32 : i32
        %get3A_348 = arith.index_cast %get3A_347 : i32 to index
        %get3A_349 = arith.index_cast %mul3A_160 : i32 to index
        %get3A_350 = tpu.vector_load %arg6[%get3A_348, %get3A_349] {strides = array<i32>} : memref<40x1024xf32, #tpu.memory_space<vmem>>, vector<1x16xf32>,
        %get3A_351 = vector.shape_cast %get3A_350 : vector<1x16xf32> to vector<16xf32>
        %add3A_352 = arith.addf %add3A_346, %get3A_351 : vector<16xf32>
        %get3A_353 = arith.constant 33 : i32
        %get3A_354 = arith.index_cast %get3A_353 : i32 to index
        %get3A_355 = arith.index_cast %mul3A_160 : i32 to index
        %get3A_356 = tpu.vector_load %arg6[%get3A_354, %get3A_355] {strides = array<i32>} : memref<40x1024xf32, #tpu.memory_space<vmem>>, vector<1x16xf32>,
        %get3A_357 = vector.shape_cast %get3A_356 : vector<1x16xf32> to vector<16xf32>
        %add3A_358 = arith.addf %add3A_352, %get3A_357 : vector<16xf32>
        %get3A_359 = arith.constant 34 : i32
        %get3A_360 = arith.index_cast %get3A_359 : i32 to index
        %get3A_361 = arith.index_cast %mul3A_160 : i32 to index
        %get3A_362 = tpu.vector_load %arg6[%get3A_360, %get3A_361] {strides = array<i32>} : memref<40x1024xf32, #tpu.memory_space<vmem>>, vector<1x16xf32>,
        %get3A_363 = vector.shape_cast %get3A_362 : vector<1x16xf32> to vector<16xf32>
        %add3A_364 = arith.addf %add3A_358, %get3A_363 : vector<16xf32>
        %get3A_365 = arith.constant 35 : i32
        %get3A_366 = arith.index_cast %get3A_365 : i32 to index
        %get3A_367 = arith.index_cast %mul3A_160 : i32 to index
        %get3A_368 = tpu.vector_load %arg6[%get3A_366, %get3A_367] {strides = array<i32>} : memref<40x1024xf32, #tpu.memory_space<vmem>>, vector<1x16xf32>,
        %get3A_369 = vector.shape_cast %get3A_368 : vector<1x16xf32> to vector<16xf32>
        %add3A_370 = arith.addf %add3A_364, %get3A_369 : vector<16xf32>
        %get3A_371 = arith.constant 36 : i32
        %get3A_372 = arith.index_cast %get3A_371 : i32 to index
        %get3A_373 = arith.index_cast %mul3A_160 : i32 to index
        %get3A_374 = tpu.vector_load %arg6[%get3A_372, %get3A_373] {strides = array<i32>} : memref<40x1024xf32, #tpu.memory_space<vmem>>, vector<1x16xf32>,
        %get3A_375 = vector.shape_cast %get3A_374 : vector<1x16xf32> to vector<16xf32>
        %add3A_376 = arith.addf %add3A_370, %get3A_375 : vector<16xf32>
        %get3A_377 = arith.constant 37 : i32
        %get3A_378 = arith.index_cast %get3A_377 : i32 to index
        %get3A_379 = arith.index_cast %mul3A_160 : i32 to index
        %get3A_380 = tpu.vector_load %arg6[%get3A_378, %get3A_379] {strides = array<i32>} : memref<40x1024xf32, #tpu.memory_space<vmem>>, vector<1x16xf32>,
        %get3A_381 = vector.shape_cast %get3A_380 : vector<1x16xf32> to vector<16xf32>
        %add3A_382 = arith.addf %add3A_376, %get3A_381 : vector<16xf32>
        %get3A_383 = arith.constant 38 : i32
        %get3A_384 = arith.index_cast %get3A_383 : i32 to index
        %get3A_385 = arith.index_cast %mul3A_160 : i32 to index
        %get3A_386 = tpu.vector_load %arg6[%get3A_384, %get3A_385] {strides = array<i32>} : memref<40x1024xf32, #tpu.memory_space<vmem>>, vector<1x16xf32>,
        %get3A_387 = vector.shape_cast %get3A_386 : vector<1x16xf32> to vector<16xf32>
        %add3A_388 = arith.addf %add3A_382, %get3A_387 : vector<16xf32>
        %swap3A_389 = arith.constant 3 : i32
        %swap3A_390 = arith.index_cast %swap3A_389 : i32 to index
        %swap3A_391 = arith.index_cast %mul3A_160 : i32 to index
        %swap3A_392 = tpu.vector_load %arg9[%swap3A_390, %swap3A_391] {strides = array<i32>} : memref<8x1024xf32, #tpu.memory_space<vmem>>, vector<1x16xf32>,
        %swap3A_393 = vector.shape_cast %swap3A_392 : vector<1x16xf32> to vector<16xf32>
        %swap3A_394 = vector.shape_cast %add3A_388 : vector<16xf32> to vector<1x16xf32>
        tpu.vector_store %arg9[%swap3A_390, %swap3A_391], %swap3A_394 {strides = array<i32>} : memref<8x1024xf32, #tpu.memory_space<vmem>>, vector<1x16xf32>,
      }
      %scan3A_119 = arith.constant 64 : i32
      %mul3A_120 = arith.constant 4 : i32
      %mul3A_121 = arith.muli %mul3A_120, %scan3A_25 : i32
      %add3A_122 = arith.constant 2 : i32
      %add3A_123 = arith.addi %mul3A_121, %add3A_122 : i32
      %add3A_124 = arith.constant 1 : i32
      %add3A_125 = arith.addi %add3A_123, %add3A_124 : i32
      %add3A_126 = arith.constant 1 : i32
      %add3A_127 = arith.addi %add3A_125, %add3A_126 : i32
      %lt3A_128 = arith.constant 128 : i32
      %lt3A_129 = arith.cmpi slt, %add3A_127, %lt3A_128 : i32
      %convert_element_type3A_130 = arith.extui %lt3A_129 : i1 to i32
      %cond3A_131 = arith.constant 0 : i32
      %cond3A_132 = arith.cmpi ne, %convert_element_type3A_130, %cond3A_131 : i32
      scf.if %cond3A_132 {
        %add3A_158 = arith.constant 1 : i32
        %add3A_159 = arith.addi %add3A_125, %add3A_158 : i32
        %mul3A_160 = arith.constant 40 : i32
        %mul3A_161 = arith.muli %add3A_159, %mul3A_160 : i32
        %dma_start3A_162 = tpu.memref_slice %arg5[%mul3A_161] : memref<5120xi32, #tpu.memory_space<vmem>> -> memref<40xi32, #tpu.memory_space<vmem>>
        %dma_start3A_163 = arith.constant 0 : i32
        %dma_start3A_164 = arith.constant 0 : i32
        %dma_start3A_165 = tpu.memref_slice %arg3[%dma_start3A_163, %dma_start3A_164] : memref<4608x1024xf32, #tpu.memory_space<hbm>> -> memref<4608x1024xf32, #tpu.memory_space<hbm>>
        tpu.enqueue_indirect_dma source(%dma_start3A_165 : memref<4608x1024xf32, #tpu.memory_space<hbm>>) target(%arg6 : memref<40x1024xf32, #tpu.memory_space<vmem>>) offsets(%dma_start3A_162 : memref<40xi32, #tpu.memory_space<vmem>>) semaphore(%arg10 : memref<!tpu.dma_semaphore, #tpu.memory_space<semaphore_mem>>)
      } else {
      }
      %dma_wait3A_133 = arith.constant 0 : i32
      %dma_wait3A_134 = arith.constant 0 : i32
      %dma_wait3A_135 = tpu.memref_slice %arg3[%dma_wait3A_133, %dma_wait3A_134] : memref<4608x1024xf32, #tpu.memory_space<hbm>> -> memref<40x1024xf32, #tpu.memory_space<hbm>>
      %dma_wait3A_136 = arith.constant 0 : i32
      %dma_wait3A_137 = arith.constant 0 : i32
      %dma_wait3A_138 = tpu.memref_slice %arg3[%dma_wait3A_136, %dma_wait3A_137] : memref<4608x1024xf32, #tpu.memory_space<hbm>> -> memref<40x1024xf32, #tpu.memory_space<hbm>>
      tpu.wait_dma2 semaphore(%arg11 : memref<!tpu.dma_semaphore, #tpu.memory_space<semaphore_mem>>) src(%dma_wait3A_138 : memref<40x1024xf32, #tpu.memory_space<hbm>>) dst(%arg7 : memref<40x1024xf32, #tpu.memory_space<vmem>>)
      %scan3A_139 = arith.constant 0 : i32
      %scan3A_140 = arith.constant 0 : i32
      %scan3A_141 = arith.constant 64 : i32
      %scan3A_142 = arith.addi %scan3A_140, %scan3A_141 : i32
      %scan3A_143 = arith.constant 1 : i32
      scf.for %scan3A_158 = %scan3A_140 to %scan3A_142 step %scan3A_143  : i32 {
        %mul3A_159 = arith.constant 16 : i32
        %mul3A_160 = arith.muli %scan3A_158, %mul3A_159 : i32
        %get3A = arith.constant 0 : i32
        %get3A_161 = arith.index_cast %get3A : i32 to index
        %get3A_162 = arith.index_cast %mul3A_160 : i32 to index
        %get3A_163 = tpu.vector_load %arg7[%get3A_161, %get3A_162] {strides = array<i32>} : memref<40x1024xf32, #tpu.memory_space<vmem>>, vector<1x16xf32>,
        %get3A_164 = vector.shape_cast %get3A_163 : vector<1x16xf32> to vector<16xf32>
        %get3A_165 = arith.constant 1 : i32
        %get3A_166 = arith.index_cast %get3A_165 : i32 to index
        %get3A_167 = arith.index_cast %mul3A_160 : i32 to index
        %get3A_168 = tpu.vector_load %arg7[%get3A_166, %get3A_167] {strides = array<i32>} : memref<40x1024xf32, #tpu.memory_space<vmem>>, vector<1x16xf32>,
        %get3A_169 = vector.shape_cast %get3A_168 : vector<1x16xf32> to vector<16xf32>
        %add3A_170 = arith.addf %get3A_164, %get3A_169 : vector<16xf32>
        %get3A_171 = arith.constant 2 : i32
        %get3A_172 = arith.index_cast %get3A_171 : i32 to index
        %get3A_173 = arith.index_cast %mul3A_160 : i32 to index
        %get3A_174 = tpu.vector_load %arg7[%get3A_172, %get3A_173] {strides = array<i32>} : memref<40x1024xf32, #tpu.memory_space<vmem>>, vector<1x16xf32>,
        %get3A_175 = vector.shape_cast %get3A_174 : vector<1x16xf32> to vector<16xf32>
        %add3A_176 = arith.addf %add3A_170, %get3A_175 : vector<16xf32>
        %get3A_177 = arith.constant 3 : i32
        %get3A_178 = arith.index_cast %get3A_177 : i32 to index
        %get3A_179 = arith.index_cast %mul3A_160 : i32 to index
        %get3A_180 = tpu.vector_load %arg7[%get3A_178, %get3A_179] {strides = array<i32>} : memref<40x1024xf32, #tpu.memory_space<vmem>>, vector<1x16xf32>,
        %get3A_181 = vector.shape_cast %get3A_180 : vector<1x16xf32> to vector<16xf32>
        %add3A_182 = arith.addf %add3A_176, %get3A_181 : vector<16xf32>
        %get3A_183 = arith.constant 4 : i32
        %get3A_184 = arith.index_cast %get3A_183 : i32 to index
        %get3A_185 = arith.index_cast %mul3A_160 : i32 to index
        %get3A_186 = tpu.vector_load %arg7[%get3A_184, %get3A_185] {strides = array<i32>} : memref<40x1024xf32, #tpu.memory_space<vmem>>, vector<1x16xf32>,
        %get3A_187 = vector.shape_cast %get3A_186 : vector<1x16xf32> to vector<16xf32>
        %add3A_188 = arith.addf %add3A_182, %get3A_187 : vector<16xf32>
        %get3A_189 = arith.constant 5 : i32
        %get3A_190 = arith.index_cast %get3A_189 : i32 to index
        %get3A_191 = arith.index_cast %mul3A_160 : i32 to index
        %get3A_192 = tpu.vector_load %arg7[%get3A_190, %get3A_191] {strides = array<i32>} : memref<40x1024xf32, #tpu.memory_space<vmem>>, vector<1x16xf32>,
        %get3A_193 = vector.shape_cast %get3A_192 : vector<1x16xf32> to vector<16xf32>
        %add3A_194 = arith.addf %add3A_188, %get3A_193 : vector<16xf32>
        %get3A_195 = arith.constant 6 : i32
        %get3A_196 = arith.index_cast %get3A_195 : i32 to index
        %get3A_197 = arith.index_cast %mul3A_160 : i32 to index
        %get3A_198 = tpu.vector_load %arg7[%get3A_196, %get3A_197] {strides = array<i32>} : memref<40x1024xf32, #tpu.memory_space<vmem>>, vector<1x16xf32>,
        %get3A_199 = vector.shape_cast %get3A_198 : vector<1x16xf32> to vector<16xf32>
        %add3A_200 = arith.addf %add3A_194, %get3A_199 : vector<16xf32>
        %get3A_201 = arith.constant 7 : i32
        %get3A_202 = arith.index_cast %get3A_201 : i32 to index
        %get3A_203 = arith.index_cast %mul3A_160 : i32 to index
        %get3A_204 = tpu.vector_load %arg7[%get3A_202, %get3A_203] {strides = array<i32>} : memref<40x1024xf32, #tpu.memory_space<vmem>>, vector<1x16xf32>,
        %get3A_205 = vector.shape_cast %get3A_204 : vector<1x16xf32> to vector<16xf32>
        %add3A_206 = arith.addf %add3A_200, %get3A_205 : vector<16xf32>
        %get3A_207 = arith.constant 8 : i32
        %get3A_208 = arith.index_cast %get3A_207 : i32 to index
        %get3A_209 = arith.index_cast %mul3A_160 : i32 to index
        %get3A_210 = tpu.vector_load %arg7[%get3A_208, %get3A_209] {strides = array<i32>} : memref<40x1024xf32, #tpu.memory_space<vmem>>, vector<1x16xf32>,
        %get3A_211 = vector.shape_cast %get3A_210 : vector<1x16xf32> to vector<16xf32>
        %add3A_212 = arith.addf %add3A_206, %get3A_211 : vector<16xf32>
        %swap3A = arith.constant 4 : i32
        %swap3A_213 = arith.index_cast %swap3A : i32 to index
        %swap3A_214 = arith.index_cast %mul3A_160 : i32 to index
        %swap3A_215 = tpu.vector_load %arg9[%swap3A_213, %swap3A_214] {strides = array<i32>} : memref<8x1024xf32, #tpu.memory_space<vmem>>, vector<1x16xf32>,
        %swap3A_216 = vector.shape_cast %swap3A_215 : vector<1x16xf32> to vector<16xf32>
        %swap3A_217 = vector.shape_cast %add3A_212 : vector<16xf32> to vector<1x16xf32>
        tpu.vector_store %arg9[%swap3A_213, %swap3A_214], %swap3A_217 {strides = array<i32>} : memref<8x1024xf32, #tpu.memory_space<vmem>>, vector<1x16xf32>,
        %get3A_218 = arith.constant 10 : i32
        %get3A_219 = arith.index_cast %get3A_218 : i32 to index
        %get3A_220 = arith.index_cast %mul3A_160 : i32 to index
        %get3A_221 = tpu.vector_load %arg7[%get3A_219, %get3A_220] {strides = array<i32>} : memref<40x1024xf32, #tpu.memory_space<vmem>>, vector<1x16xf32>,
        %get3A_222 = vector.shape_cast %get3A_221 : vector<1x16xf32> to vector<16xf32>
        %get3A_223 = arith.constant 11 : i32
        %get3A_224 = arith.index_cast %get3A_223 : i32 to index
        %get3A_225 = arith.index_cast %mul3A_160 : i32 to index
        %get3A_226 = tpu.vector_load %arg7[%get3A_224, %get3A_225] {strides = array<i32>} : memref<40x1024xf32, #tpu.memory_space<vmem>>, vector<1x16xf32>,
        %get3A_227 = vector.shape_cast %get3A_226 : vector<1x16xf32> to vector<16xf32>
        %add3A_228 = arith.addf %get3A_222, %get3A_227 : vector<16xf32>
        %get3A_229 = arith.constant 12 : i32
        %get3A_230 = arith.index_cast %get3A_229 : i32 to index
        %get3A_231 = arith.index_cast %mul3A_160 : i32 to index
        %get3A_232 = tpu.vector_load %arg7[%get3A_230, %get3A_231] {strides = array<i32>} : memref<40x1024xf32, #tpu.memory_space<vmem>>, vector<1x16xf32>,
        %get3A_233 = vector.shape_cast %get3A_232 : vector<1x16xf32> to vector<16xf32>
        %add3A_234 = arith.addf %add3A_228, %get3A_233 : vector<16xf32>
        %get3A_235 = arith.constant 13 : i32
        %get3A_236 = arith.index_cast %get3A_235 : i32 to index
        %get3A_237 = arith.index_cast %mul3A_160 : i32 to index
        %get3A_238 = tpu.vector_load %arg7[%get3A_236, %get3A_237] {strides = array<i32>} : memref<40x1024xf32, #tpu.memory_space<vmem>>, vector<1x16xf32>,
        %get3A_239 = vector.shape_cast %get3A_238 : vector<1x16xf32> to vector<16xf32>
        %add3A_240 = arith.addf %add3A_234, %get3A_239 : vector<16xf32>
        %get3A_241 = arith.constant 14 : i32
        %get3A_242 = arith.index_cast %get3A_241 : i32 to index
        %get3A_243 = arith.index_cast %mul3A_160 : i32 to index
        %get3A_244 = tpu.vector_load %arg7[%get3A_242, %get3A_243] {strides = array<i32>} : memref<40x1024xf32, #tpu.memory_space<vmem>>, vector<1x16xf32>,
        %get3A_245 = vector.shape_cast %get3A_244 : vector<1x16xf32> to vector<16xf32>
        %add3A_246 = arith.addf %add3A_240, %get3A_245 : vector<16xf32>
        %get3A_247 = arith.constant 15 : i32
        %get3A_248 = arith.index_cast %get3A_247 : i32 to index
        %get3A_249 = arith.index_cast %mul3A_160 : i32 to index
        %get3A_250 = tpu.vector_load %arg7[%get3A_248, %get3A_249] {strides = array<i32>} : memref<40x1024xf32, #tpu.memory_space<vmem>>, vector<1x16xf32>,
        %get3A_251 = vector.shape_cast %get3A_250 : vector<1x16xf32> to vector<16xf32>
        %add3A_252 = arith.addf %add3A_246, %get3A_251 : vector<16xf32>
        %get3A_253 = arith.constant 16 : i32
        %get3A_254 = arith.index_cast %get3A_253 : i32 to index
        %get3A_255 = arith.index_cast %mul3A_160 : i32 to index
        %get3A_256 = tpu.vector_load %arg7[%get3A_254, %get3A_255] {strides = array<i32>} : memref<40x1024xf32, #tpu.memory_space<vmem>>, vector<1x16xf32>,
        %get3A_257 = vector.shape_cast %get3A_256 : vector<1x16xf32> to vector<16xf32>
        %add3A_258 = arith.addf %add3A_252, %get3A_257 : vector<16xf32>
        %get3A_259 = arith.constant 17 : i32
        %get3A_260 = arith.index_cast %get3A_259 : i32 to index
        %get3A_261 = arith.index_cast %mul3A_160 : i32 to index
        %get3A_262 = tpu.vector_load %arg7[%get3A_260, %get3A_261] {strides = array<i32>} : memref<40x1024xf32, #tpu.memory_space<vmem>>, vector<1x16xf32>,
        %get3A_263 = vector.shape_cast %get3A_262 : vector<1x16xf32> to vector<16xf32>
        %add3A_264 = arith.addf %add3A_258, %get3A_263 : vector<16xf32>
        %get3A_265 = arith.constant 18 : i32
        %get3A_266 = arith.index_cast %get3A_265 : i32 to index
        %get3A_267 = arith.index_cast %mul3A_160 : i32 to index
        %get3A_268 = tpu.vector_load %arg7[%get3A_266, %get3A_267] {strides = array<i32>} : memref<40x1024xf32, #tpu.memory_space<vmem>>, vector<1x16xf32>,
        %get3A_269 = vector.shape_cast %get3A_268 : vector<1x16xf32> to vector<16xf32>
        %add3A_270 = arith.addf %add3A_264, %get3A_269 : vector<16xf32>
        %swap3A_271 = arith.constant 5 : i32
        %swap3A_272 = arith.index_cast %swap3A_271 : i32 to index
        %swap3A_273 = arith.index_cast %mul3A_160 : i32 to index
        %swap3A_274 = tpu.vector_load %arg9[%swap3A_272, %swap3A_273] {strides = array<i32>} : memref<8x1024xf32, #tpu.memory_space<vmem>>, vector<1x16xf32>,
        %swap3A_275 = vector.shape_cast %swap3A_274 : vector<1x16xf32> to vector<16xf32>
        %swap3A_276 = vector.shape_cast %add3A_270 : vector<16xf32> to vector<1x16xf32>
        tpu.vector_store %arg9[%swap3A_272, %swap3A_273], %swap3A_276 {strides = array<i32>} : memref<8x1024xf32, #tpu.memory_space<vmem>>, vector<1x16xf32>,
        %get3A_277 = arith.constant 20 : i32
        %get3A_278 = arith.index_cast %get3A_277 : i32 to index
        %get3A_279 = arith.index_cast %mul3A_160 : i32 to index
        %get3A_280 = tpu.vector_load %arg7[%get3A_278, %get3A_279] {strides = array<i32>} : memref<40x1024xf32, #tpu.memory_space<vmem>>, vector<1x16xf32>,
        %get3A_281 = vector.shape_cast %get3A_280 : vector<1x16xf32> to vector<16xf32>
        %get3A_282 = arith.constant 21 : i32
        %get3A_283 = arith.index_cast %get3A_282 : i32 to index
        %get3A_284 = arith.index_cast %mul3A_160 : i32 to index
        %get3A_285 = tpu.vector_load %arg7[%get3A_283, %get3A_284] {strides = array<i32>} : memref<40x1024xf32, #tpu.memory_space<vmem>>, vector<1x16xf32>,
        %get3A_286 = vector.shape_cast %get3A_285 : vector<1x16xf32> to vector<16xf32>
        %add3A_287 = arith.addf %get3A_281, %get3A_286 : vector<16xf32>
        %get3A_288 = arith.constant 22 : i32
        %get3A_289 = arith.index_cast %get3A_288 : i32 to index
        %get3A_290 = arith.index_cast %mul3A_160 : i32 to index
        %get3A_291 = tpu.vector_load %arg7[%get3A_289, %get3A_290] {strides = array<i32>} : memref<40x1024xf32, #tpu.memory_space<vmem>>, vector<1x16xf32>,
        %get3A_292 = vector.shape_cast %get3A_291 : vector<1x16xf32> to vector<16xf32>
        %add3A_293 = arith.addf %add3A_287, %get3A_292 : vector<16xf32>
        %get3A_294 = arith.constant 23 : i32
        %get3A_295 = arith.index_cast %get3A_294 : i32 to index
        %get3A_296 = arith.index_cast %mul3A_160 : i32 to index
        %get3A_297 = tpu.vector_load %arg7[%get3A_295, %get3A_296] {strides = array<i32>} : memref<40x1024xf32, #tpu.memory_space<vmem>>, vector<1x16xf32>,
        %get3A_298 = vector.shape_cast %get3A_297 : vector<1x16xf32> to vector<16xf32>
        %add3A_299 = arith.addf %add3A_293, %get3A_298 : vector<16xf32>
        %get3A_300 = arith.constant 24 : i32
        %get3A_301 = arith.index_cast %get3A_300 : i32 to index
        %get3A_302 = arith.index_cast %mul3A_160 : i32 to index
        %get3A_303 = tpu.vector_load %arg7[%get3A_301, %get3A_302] {strides = array<i32>} : memref<40x1024xf32, #tpu.memory_space<vmem>>, vector<1x16xf32>,
        %get3A_304 = vector.shape_cast %get3A_303 : vector<1x16xf32> to vector<16xf32>
        %add3A_305 = arith.addf %add3A_299, %get3A_304 : vector<16xf32>
        %get3A_306 = arith.constant 25 : i32
        %get3A_307 = arith.index_cast %get3A_306 : i32 to index
        %get3A_308 = arith.index_cast %mul3A_160 : i32 to index
        %get3A_309 = tpu.vector_load %arg7[%get3A_307, %get3A_308] {strides = array<i32>} : memref<40x1024xf32, #tpu.memory_space<vmem>>, vector<1x16xf32>,
        %get3A_310 = vector.shape_cast %get3A_309 : vector<1x16xf32> to vector<16xf32>
        %add3A_311 = arith.addf %add3A_305, %get3A_310 : vector<16xf32>
        %get3A_312 = arith.constant 26 : i32
        %get3A_313 = arith.index_cast %get3A_312 : i32 to index
        %get3A_314 = arith.index_cast %mul3A_160 : i32 to index
        %get3A_315 = tpu.vector_load %arg7[%get3A_313, %get3A_314] {strides = array<i32>} : memref<40x1024xf32, #tpu.memory_space<vmem>>, vector<1x16xf32>,
        %get3A_316 = vector.shape_cast %get3A_315 : vector<1x16xf32> to vector<16xf32>
        %add3A_317 = arith.addf %add3A_311, %get3A_316 : vector<16xf32>
        %get3A_318 = arith.constant 27 : i32
        %get3A_319 = arith.index_cast %get3A_318 : i32 to index
        %get3A_320 = arith.index_cast %mul3A_160 : i32 to index
        %get3A_321 = tpu.vector_load %arg7[%get3A_319, %get3A_320] {strides = array<i32>} : memref<40x1024xf32, #tpu.memory_space<vmem>>, vector<1x16xf32>,
        %get3A_322 = vector.shape_cast %get3A_321 : vector<1x16xf32> to vector<16xf32>
        %add3A_323 = arith.addf %add3A_317, %get3A_322 : vector<16xf32>
        %get3A_324 = arith.constant 28 : i32
        %get3A_325 = arith.index_cast %get3A_324 : i32 to index
        %get3A_326 = arith.index_cast %mul3A_160 : i32 to index
        %get3A_327 = tpu.vector_load %arg7[%get3A_325, %get3A_326] {strides = array<i32>} : memref<40x1024xf32, #tpu.memory_space<vmem>>, vector<1x16xf32>,
        %get3A_328 = vector.shape_cast %get3A_327 : vector<1x16xf32> to vector<16xf32>
        %add3A_329 = arith.addf %add3A_323, %get3A_328 : vector<16xf32>
        %swap3A_330 = arith.constant 6 : i32
        %swap3A_331 = arith.index_cast %swap3A_330 : i32 to index
        %swap3A_332 = arith.index_cast %mul3A_160 : i32 to index
        %swap3A_333 = tpu.vector_load %arg9[%swap3A_331, %swap3A_332] {strides = array<i32>} : memref<8x1024xf32, #tpu.memory_space<vmem>>, vector<1x16xf32>,
        %swap3A_334 = vector.shape_cast %swap3A_333 : vector<1x16xf32> to vector<16xf32>
        %swap3A_335 = vector.shape_cast %add3A_329 : vector<16xf32> to vector<1x16xf32>
        tpu.vector_store %arg9[%swap3A_331, %swap3A_332], %swap3A_335 {strides = array<i32>} : memref<8x1024xf32, #tpu.memory_space<vmem>>, vector<1x16xf32>,
        %get3A_336 = arith.constant 30 : i32
        %get3A_337 = arith.index_cast %get3A_336 : i32 to index
        %get3A_338 = arith.index_cast %mul3A_160 : i32 to index
        %get3A_339 = tpu.vector_load %arg7[%get3A_337, %get3A_338] {strides = array<i32>} : memref<40x1024xf32, #tpu.memory_space<vmem>>, vector<1x16xf32>,
        %get3A_340 = vector.shape_cast %get3A_339 : vector<1x16xf32> to vector<16xf32>
        %get3A_341 = arith.constant 31 : i32
        %get3A_342 = arith.index_cast %get3A_341 : i32 to index
        %get3A_343 = arith.index_cast %mul3A_160 : i32 to index
        %get3A_344 = tpu.vector_load %arg7[%get3A_342, %get3A_343] {strides = array<i32>} : memref<40x1024xf32, #tpu.memory_space<vmem>>, vector<1x16xf32>,
        %get3A_345 = vector.shape_cast %get3A_344 : vector<1x16xf32> to vector<16xf32>
        %add3A_346 = arith.addf %get3A_340, %get3A_345 : vector<16xf32>
        %get3A_347 = arith.constant 32 : i32
        %get3A_348 = arith.index_cast %get3A_347 : i32 to index
        %get3A_349 = arith.index_cast %mul3A_160 : i32 to index
        %get3A_350 = tpu.vector_load %arg7[%get3A_348, %get3A_349] {strides = array<i32>} : memref<40x1024xf32, #tpu.memory_space<vmem>>, vector<1x16xf32>,
        %get3A_351 = vector.shape_cast %get3A_350 : vector<1x16xf32> to vector<16xf32>
        %add3A_352 = arith.addf %add3A_346, %get3A_351 : vector<16xf32>
        %get3A_353 = arith.constant 33 : i32
        %get3A_354 = arith.index_cast %get3A_353 : i32 to index
        %get3A_355 = arith.index_cast %mul3A_160 : i32 to index
        %get3A_356 = tpu.vector_load %arg7[%get3A_354, %get3A_355] {strides = array<i32>} : memref<40x1024xf32, #tpu.memory_space<vmem>>, vector<1x16xf32>,
        %get3A_357 = vector.shape_cast %get3A_356 : vector<1x16xf32> to vector<16xf32>
        %add3A_358 = arith.addf %add3A_352, %get3A_357 : vector<16xf32>
        %get3A_359 = arith.constant 34 : i32
        %get3A_360 = arith.index_cast %get3A_359 : i32 to index
        %get3A_361 = arith.index_cast %mul3A_160 : i32 to index
        %get3A_362 = tpu.vector_load %arg7[%get3A_360, %get3A_361] {strides = array<i32>} : memref<40x1024xf32, #tpu.memory_space<vmem>>, vector<1x16xf32>,
        %get3A_363 = vector.shape_cast %get3A_362 : vector<1x16xf32> to vector<16xf32>
        %add3A_364 = arith.addf %add3A_358, %get3A_363 : vector<16xf32>
        %get3A_365 = arith.constant 35 : i32
        %get3A_366 = arith.index_cast %get3A_365 : i32 to index
        %get3A_367 = arith.index_cast %mul3A_160 : i32 to index
        %get3A_368 = tpu.vector_load %arg7[%get3A_366, %get3A_367] {strides = array<i32>} : memref<40x1024xf32, #tpu.memory_space<vmem>>, vector<1x16xf32>,
        %get3A_369 = vector.shape_cast %get3A_368 : vector<1x16xf32> to vector<16xf32>
        %add3A_370 = arith.addf %add3A_364, %get3A_369 : vector<16xf32>
        %get3A_371 = arith.constant 36 : i32
        %get3A_372 = arith.index_cast %get3A_371 : i32 to index
        %get3A_373 = arith.index_cast %mul3A_160 : i32 to index
        %get3A_374 = tpu.vector_load %arg7[%get3A_372, %get3A_373] {strides = array<i32>} : memref<40x1024xf32, #tpu.memory_space<vmem>>, vector<1x16xf32>,
        %get3A_375 = vector.shape_cast %get3A_374 : vector<1x16xf32> to vector<16xf32>
        %add3A_376 = arith.addf %add3A_370, %get3A_375 : vector<16xf32>
        %get3A_377 = arith.constant 37 : i32
        %get3A_378 = arith.index_cast %get3A_377 : i32 to index
        %get3A_379 = arith.index_cast %mul3A_160 : i32 to index
        %get3A_380 = tpu.vector_load %arg7[%get3A_378, %get3A_379] {strides = array<i32>} : memref<40x1024xf32, #tpu.memory_space<vmem>>, vector<1x16xf32>,
        %get3A_381 = vector.shape_cast %get3A_380 : vector<1x16xf32> to vector<16xf32>
        %add3A_382 = arith.addf %add3A_376, %get3A_381 : vector<16xf32>
        %get3A_383 = arith.constant 38 : i32
        %get3A_384 = arith.index_cast %get3A_383 : i32 to index
        %get3A_385 = arith.index_cast %mul3A_160 : i32 to index
        %get3A_386 = tpu.vector_load %arg7[%get3A_384, %get3A_385] {strides = array<i32>} : memref<40x1024xf32, #tpu.memory_space<vmem>>, vector<1x16xf32>,
        %get3A_387 = vector.shape_cast %get3A_386 : vector<1x16xf32> to vector<16xf32>
        %add3A_388 = arith.addf %add3A_382, %get3A_387 : vector<16xf32>
        %swap3A_389 = arith.constant 7 : i32
        %swap3A_390 = arith.index_cast %swap3A_389 : i32 to index
        %swap3A_391 = arith.index_cast %mul3A_160 : i32 to index
        %swap3A_392 = tpu.vector_load %arg9[%swap3A_390, %swap3A_391] {strides = array<i32>} : memref<8x1024xf32, #tpu.memory_space<vmem>>, vector<1x16xf32>,
        %swap3A_393 = vector.shape_cast %swap3A_392 : vector<1x16xf32> to vector<16xf32>
        %swap3A_394 = vector.shape_cast %add3A_388 : vector<16xf32> to vector<1x16xf32>
        tpu.vector_store %arg9[%swap3A_390, %swap3A_391], %swap3A_394 {strides = array<i32>} : memref<8x1024xf32, #tpu.memory_space<vmem>>, vector<1x16xf32>,
      }
      %scan3A_144 = arith.constant 64 : i32
      %mul3A_145 = arith.constant 512 : i32
      %mul3A_146 = arith.muli %add3A, %mul3A_145 : i32
      %mul3A_147 = arith.constant 4 : i32
      %mul3A_148 = arith.muli %mul3A_147, %scan3A_25 : i32
      %add3A_149 = arith.constant 2 : i32
      %add3A_150 = arith.addi %mul3A_148, %add3A_149 : i32
      %mul3A_151 = arith.constant 4 : i32
      %mul3A_152 = arith.muli %add3A_150, %mul3A_151 : i32
      %add3A_153 = arith.addi %mul3A_146, %mul3A_152 : i32
      %dma_start3A_154 = arith.constant 0 : i32
      %dma_start3A_155 = tpu.memref_slice %arg4[%add3A_153, %dma_start3A_154] : memref<16384x1024xf32, #tpu.memory_space<hbm>> -> memref<8x1024xf32, #tpu.memory_space<hbm>>
      %dma_start3A_156 = arith.constant 0 : i32
      %dma_start3A_157 = tpu.memref_slice %arg4[%add3A_153, %dma_start3A_156] : memref<16384x1024xf32, #tpu.memory_space<hbm>> -> memref<8x1024xf32, #tpu.memory_space<hbm>>
      tpu.enqueue_dma source(%arg9 : memref<8x1024xf32, #tpu.memory_space<vmem>>) target(%dma_start3A_157 : memref<8x1024xf32, #tpu.memory_space<hbm>>) target_semaphore(%arg13 : memref<!tpu.dma_semaphore, #tpu.memory_space<semaphore_mem>>)
    }
    %scan3A_13 = arith.constant 32 : i32
    %dma_wait3A = arith.constant 0 : i32
    %dma_wait3A_14 = arith.constant 0 : i32
    %dma_wait3A_15 = tpu.memref_slice %arg4[%dma_wait3A, %dma_wait3A_14] : memref<16384x1024xf32, #tpu.memory_space<hbm>> -> memref<8x1024xf32, #tpu.memory_space<hbm>>
    %dma_wait3A_16 = arith.constant 0 : i32
    %dma_wait3A_17 = arith.constant 0 : i32
    %dma_wait3A_18 = tpu.memref_slice %arg4[%dma_wait3A_16, %dma_wait3A_17] : memref<16384x1024xf32, #tpu.memory_space<hbm>> -> memref<8x1024xf32, #tpu.memory_space<hbm>>
    tpu.wait_dma2 semaphore(%arg12 : memref<!tpu.dma_semaphore, #tpu.memory_space<semaphore_mem>>) src(%arg8 : memref<8x1024xf32, #tpu.memory_space<vmem>>) dst(%dma_wait3A_18 : memref<8x1024xf32, #tpu.memory_space<hbm>>)
    %dma_wait3A_19 = arith.constant 0 : i32
    %dma_wait3A_20 = arith.constant 0 : i32
    %dma_wait3A_21 = tpu.memref_slice %arg4[%dma_wait3A_19, %dma_wait3A_20] : memref<16384x1024xf32, #tpu.memory_space<hbm>> -> memref<8x1024xf32, #tpu.memory_space<hbm>>
    %dma_wait3A_22 = arith.constant 0 : i32
    %dma_wait3A_23 = arith.constant 0 : i32
    %dma_wait3A_24 = tpu.memref_slice %arg4[%dma_wait3A_22, %dma_wait3A_23] : memref<16384x1024xf32, #tpu.memory_space<hbm>> -> memref<8x1024xf32, #tpu.memory_space<hbm>>
    tpu.wait_dma2 semaphore(%arg13 : memref<!tpu.dma_semaphore, #tpu.memory_space<semaphore_mem>>) src(%arg9 : memref<8x1024xf32, #tpu.memory_space<vmem>>) dst(%dma_wait3A_24 : memref<8x1024xf32, #tpu.memory_space<hbm>>)
    return
  }
}

</mosaic_0001>

<sc_bundles>
// kernel: _sc_call.3.cloned.1.call-start
scs
__scs_entry_jumppad:
0x0: {  	(pc) =	sbr.rel $0x88, $3  }
0x1: {  	(tag) =	ssettag $0x0;
	lr =	simm.s32 $0x1  }
0x2: {  	[smem:$0x3F9F] =	sst lr;
	_ =	strace $0xD0000000  }
0x3: {  	_ = 	snop  }
0x4: {  	_ = 	snop  }
0x5: {  	_ = 	snop  }
0x6: {  	_ = 	snop  }
0x7: {  	_ = 	snop  }
__scs_overlays_trampoline_lowered:
0x8: {  	[smem:$0x3FAE] =	sst s0  }
0x9: {  	[smem:$0x3FAF] =	sst s1  }
0xa: {  	[smem:$0x3FB0] =	sst s2  }
0xb: {  	[smem:$0x3FB1] =	sst s3  }
0xc: {  	[smem:$0x3FB2] =	sst s4  }
0xd: {  	[smem:$0x3FB3] =	sst s5  }
0xe: {  	[smem:$0x3FB4] =	sst s6  }
0xf: {  	[smem:$0x3FB5] =	sst s7  }
0x10: {  	[smem:$0x3FB6] =	sst s8  }
0x11: {  	[smem:$0x3FB7] =	sst s9;
	s0 =	simm.s32 @!p0 $0x0  }
0x12: {  	s1 =	sld [smem:$0x3F9D];
	s0 =	simm.s32 @p0 $0x1  }
0x13: {  	[smem:$0x3FB8] =	sst s0;
	s0 =	simm.s32 @!p1 $0x0  }
0x14: {  	s2 =	sld [smem:$0x3F9C];
	s0 =	simm.s32 @p1 $0x1  }
0x15: {  	[smem:$0x3FB9] =	sst s0;
	s0 =	simm.s32 @!p2 $0x0  }
0x16: {  	s3 =	sld [smem:$0x3FDB];
	s0 =	simm.s32 @p2 $0x1  }
0x17: {  	s4 =	simm.s32 $0x1BF5;
	[smem:$0x3FBB] =	sst s0  }
0x18: {  	s0 =	sld [smem:$0x3F9E];
	_ =	swait.ge [sflag:s4], $0x0  }
0x19: {  	s7 =	sld [smem:$0x3F9F]  }
0x1a: {  	s8 =	sadd.s32 $0xFFFFE003, lr  }
0x1b: {  	s9 =	sadd.s32 $0xFFFFFEF7, lr;
	s5 =	simm.s32 $0xFFFFFFFF;
	p2 =	slt.u32 s8, $0xFFFFF086  }
0x1c: {  	p1 =	slt.u32 s9, $0xF7A;
	s5 =	simm.s32 @!p2 $0x0  }
0x1d: {  	s5 =	simm.s32 @p1 $0x1;
	p0 =	seq.s32 s7, s2  }
0x1e: {  	s7 =	smul.u32 @!p0 $0xF7A, s2;
	p2 =	seq.s32 @!p0 s5, $0x0  }
0x1f: {  	s9 =	smul.u32 $0xF7A, s1;
	s8 =	simm.s32 @!p0 $0x1BF5;
	p2 =	por !p2, p0  }
0x20: {  	[sflag:s8] =	ssyncset.s32 @!p0 $0xFFFFF086;
	s6 =	sadd.s32 @!p0 s3, s7;
	s7 =	simm.s32 @!p0 $0x108  }
0x21: {  	s3 =	sadd.s32 s3, s9;
	s6 =	sadd.s32 @!p0 $0x88, s6;
	s7 =	simm.s32 @p2 $0x1082  }
0x22: {  	[simem:s7], [sflag:s8] =	dma.local @!p0 [hbm:s6], $0xF7A  }
0x23: {  	s9 =	sor.u32 $0xD0000000, s2;
	s6 =	simm.s32 $0x108;
	_ =	swait.ge @!p0 [sflag:s8], $0x0  }
0x24: {  	s3 =	sadd.s32 $0x88, s3;
	s6 =	simm.s32 @!p1 $0x1082;
	[sflag:s4] =	ssyncset.s32 $0xFFFFF086  }
0x25: {  	[simem:s6], [sflag:s4] =	dma.local [hbm:s3], $0xF7A  }
0x26: {  	[smem:$0x3F9F] =	sst s1;
	(tag) =	ssettag s2;
	_ =	strace s9  }
0x27: {  	s1 =	sld [smem:$0x3FAF]  }
0x28: {  	s2 =	sld [smem:$0x3FB0]  }
0x29: {  	s4 =	sld [smem:$0x3FB2]  }
0x2a: {  	p0 =	seq.s32 s5, $0x0;
	s5 =	sld [smem:$0x3FB3]  }
0x2b: {  	s6 =	sld [smem:$0x3FB4]  }
0x2c: {  	s7 =	sld [smem:$0x3FB5]  }
0x2d: {  	s3 =	simm.s32 $0x108;
	s8 =	sld [smem:$0x3FB6]  }
0x2e: {  	s3 =	simm.s32 @!p0 $0x1082;
	s9 =	sld [smem:$0x3FB7]  }
0x2f: {  	lr =	sadd.s32 s0, s3;
	s0 =	sld [smem:$0x3FAE]  }
0x30: {  	s3 =	sld [smem:$0x3FB1]  }
0x31: {  	[smem:$0x3FBA] =	sst s10  }
0x32: {  	s10 =	sld [smem:$0x3FB8];
	_ =	sdelay $0x3  }
0x33: {  	p0 =	seq.s32 s10, $0x1;
	s10 =	sld [smem:$0x3FBA];
	_ =	sdelay $0x3  }
0x34: {  	[smem:$0x3FBA] =	sst s10  }
0x35: {  	s10 =	sld [smem:$0x3FB9];
	_ =	sdelay $0x3  }
0x36: {  	p1 =	seq.s32 s10, $0x1;
	s10 =	sld [smem:$0x3FBA];
	_ =	sdelay $0x3  }
0x37: {  	[smem:$0x3FBA] =	sst s10  }
0x38: {  	s10 =	sld [smem:$0x3FBB]  }
0x39: {  	_ = 	snop;
	(pc) =	sbr.ind lr, $3  }
0x3a: {  	_ = 	snop  }
0x3b: {  	_ = 	snop  }
0x3c: {  	p2 =	seq.s32 s10, $0x1;
	s10 =	sld [smem:$0x3FBA]  }
0x3d: {  	_ =	shalt  }
0x3e: {  	_ =	shalt  }
0x3f: {  	_ =	shalt  }
0x40: {  	_ =	shalt  }
0x41: {  	_ =	shalt  }
0x42: {  	_ =	shalt  }
0x43: {  	_ =	shalt  }
0x44: {  	_ =	shalt  }
0x45: {  	_ =	shalt  }
0x46: {  	_ =	shalt  }
0x47: {  	_ =	shalt  }
0x48: {  	_ =	shalt  }
0x49: {  	_ =	shalt  }
0x4a: {  	_ =	shalt  }
0x4b: {  	_ =	shalt  }
0x4c: {  	_ =	shalt  }
0x4d: {  	_ =	shalt  }
0x4e: {  	_ =	shalt  }
0x4f: {  	_ =	shalt  }
0x50: {  	_ =	shalt  }
0x51: {  	_ =	shalt  }
0x52: {  	_ =	shalt  }
0x53: {  	_ =	shalt  }
0x54: {  	_ =	shalt  }
0x55: {  	_ =	shalt  }
0x56: {  	_ =	shalt  }
0x57: {  	_ =	shalt  }
0x58: {  	_ =	shalt  }
0x59: {  	_ =	shalt  }
0x5a: {  	_ =	shalt  }
0x5b: {  	_ =	shalt  }
0x5c: {  	_ =	shalt  }
0x5d: {  	_ =	shalt  }
0x5e: {  	_ =	shalt  }
0x5f: {  	_ =	shalt  }
0x60: {  	_ =	shalt  }
0x61: {  	_ =	shalt  }
0x62: {  	_ =	shalt  }
0x63: {  	_ =	shalt  }
0x64: {  	_ =	shalt  }
0x65: {  	_ =	shalt  }
0x66: {  	_ =	shalt  }
0x67: {  	_ =	shalt  }
0x68: {  	_ =	shalt  }
0x69: {  	_ =	shalt  }
0x6a: {  	_ =	shalt  }
0x6b: {  	_ =	shalt  }
0x6c: {  	_ =	shalt  }
0x6d: {  	_ =	shalt  }
0x6e: {  	_ =	shalt  }
0x6f: {  	_ =	shalt  }
0x70: {  	_ =	shalt  }
0x71: {  	_ =	shalt  }
0x72: {  	_ =	shalt  }
0x73: {  	_ =	shalt  }
0x74: {  	_ =	shalt  }
0x75: {  	_ =	shalt  }
0x76: {  	_ =	shalt  }
0x77: {  	_ =	shalt  }
0x78: {  	_ =	shalt  }
0x79: {  	_ =	shalt  }
0x7a: {  	_ =	shalt  }
0x7b: {  	_ =	shalt  }
0x7c: {  	_ =	shalt  }
0x7d: {  	_ =	shalt  }
0x7e: {  	_ =	shalt  }
0x7f: {  	_ =	shalt  }
0x80: {  	_ =	shalt  }
0x81: {  	_ =	shalt  }
0x82: {  	_ =	shalt  }
0x83: {  	_ =	shalt  }
0x84: {  	_ =	shalt  }
0x85: {  	_ =	shalt  }
0x86: {  	_ =	shalt  }
0x87: {  	_ =	shalt  }
.Lfunc_end0:
.L_simem_size_0:
called_computation_lowered:
.L_overlay_start_0:
0x88: {  	s2 =	sld [smem:$0x3FD9]  }
0x89: {  	s3 =	sld [smem:$0x3FFE];
	_ =	sdelay $0x1  }
0x8a: {  	s1 =	srdreg.scid  }
0x8b: {  	s0 =	sand.u32 $0x1, s1  }
0x8c: {  	s18 =	sshll.u32 s0, $0xA;
	s2 =	sadd.s32 s3, s2  }
0x8d: {  	s2 =	sadd.s32 s2, s18  }
0x8e: {  	[smem:$0x3FC6] =	sst s2  }
0x8f: {  	_ = 	snop  }
0x90: {  	s2 =	sld [smem:$0x3FC9]  }
0x91: {  	s19 =	sld [smem:$0x3FC8]  }
0x92: {  	s4 =	sld [smem:$0x3FD0];
	(tm) =	ssettm $0x1  }
0x93: {  	s5 =	sld [smem:$0x3FFB];
	_ =	sdelay $0x3  }
0x94: {  	_ =	strace s5  }
0x95: {  	s5 =	sld [smem:$0x3FFC];
	_ =	sdelay $0x3  }
0x96: {  	_ =	strace s5  }
0x97: {  	s5 =	sld [smem:$0x3FFD];
	_ =	sdelay $0x3  }
0x98: {  	_ =	strace s5  }
0x99: {  	_ =	strace $0x8FFFFFFF  }
0x9a: {  	s20 =	sld [smem:$0x3FDB];
	_ =	sdelay $0x1  }
0x9b: {  	s6 =	simm.s32 $_scs_section_size  }
0x9c: {  	s7 =	simm.s32 $_size__tile_overlayer_lowered;
	s8 =	simm.s32 $_tile_overlayer_lowered  }
0x9d: {  	s23 =	simm.s32 $0x1BFF;
	s22 =	sshll.u32 s8, $0x1;
	s5 =	sadd.s32 s6, s20  }
0x9e: {  	s9 =	simm.s32 $0x0;
	s21 =	sshll.u32 s7, $0x1;
	s7 =	sadd.s32 s22, s5  }
0x9f: {  	[timem:s9], [sflag:s23] =	dma.local [hbm:s7], s21  }
0xa0: {  	_ =	swait.ge [sflag:s23], s21  }
0xa1: {  	s6 =	ssub.s32 $0x0, s21;
	[sflag:s23] =	ssyncset.done $0x0  }
0xa2: {  	[sflag:s23] =	ssyncadd.s32 s6;
	_ =	sdelay $0x1  }
0xa3: {  	s24 =	simm.s32 $0x1B8B  }
0xa4: {  	_ =	swait.ge [sflag:s24], $0x1  }
0xa5: {  	[sflag:s24] =	ssyncset.done $0x0  }
0xa6: {  	s25 =	simm.s32 $0x1B8E;
	[sflag:s24] =	ssyncadd.s32 $0xFFFFFFFF  }
0xa7: {  	s26 =	simm.s32 $execute0_lowered;
	[smem:$0x3FD2] =	sst s25  }
0xa8: {  	s6 =	sshll.u32 s26, $0x1;
	_ =	strace $0x80000046;
	[dreg:$0x1] =	wrdreg $0xFFFFFFFF  }
0xa9: {  	s28 =	simm.s32 $_size_execute0_lowered;
	s5 =	sadd.s32 s5, s6;
	[dreg:$0x0] =	wrdreg $0x0  }
0xaa: {  	s6 =	sshll.u32 s28, $0x1;
	[dreg:$0x2] =	wrdreg s5  }
0xab: {  	[dreg:$0x3] =	wrdreg s6  }
0xac: {  	[dreg:$0x4] =	wrdreg $0xC0  }
0xad: {  	_ =	task [dreg:s9], $0x5FFFF  }
0xae: {  	[dreg:$0x1] =	wrdreg $0xFFFFFFFF  }
0xaf: {  	[dreg:$0x0] =	wrdreg $0x60  }
0xb0: {  	[dreg:$0x2] =	wrdreg s2  }
0xb1: {  	[dreg:$0x3] =	wrdreg s19  }
0xb2: {  	[dreg:$0x4] =	wrdreg s4  }
0xb3: {  	[dreg:$0x5] =	wrdreg $0x9  }
0xb4: {  	_ =	task.clear_ibuf [dreg:s9], $0x6FFFF;
	_ =	strace $0x90000046  }
0xb5: {  	s29 =	simm.s32 $0x9;
	_ =	strace $0x80000048  }
0xb6: {  	_ =	swait.ge [sflag:s29], $0x1  }
0xb7: {  	[sflag:s29] =	ssyncadd.s32 $0xFFFFFFFF  }
0xb8: {  	_ =	strace $0x90000048  }
0xb9: {  	_ =	sfence  }
0xba: {  	s30 =	sld [smem:$0x0];
	_ =	sdelay $0x2  }
0xbb: {  	s31 =	sshll.u32 s1, $0xD;
	s1 =	sshrl.u32 s1, $0x2  }
0xbc: {  	s3 =	sand.u32 $0x4000, s31;
	s1 =	sadd.s32 s1, s30  }
0xbd: {  	s0 =	sor.u32 s3, s0;
	s1 =	sshll.u32 s1, $0x11  }
0xbe: {  	s0 =	sor.u32 s1, s0  }
0xbf: {  	s0 =	sadd.s32 $0x8F2B, s0  }
0xc0: {  	[sflag:s0] =	ssyncadd.remote.s32 $0x1  }
0xc1: {  	_ =	sfence.sel $0xFFFF  }
0xc2: {  	[dreg:$0x0] =	wrdreg $0xFFFFFFFF;
	(pc) =	sbr.abs _section_cstart, $3  }
0xc3: {  	[dreg:$0x1] =	wrdreg $0xFFFFFFFF  }
0xc4: {  	_ =	task.clear_ibuf [dreg:s9], $0x2FFFF;
	_ =	strace $0x9FFFFFFF  }
0xc5: {  	(tm) =	ssettm $0x7FFFFFFF  }
tec
execute0_lowered:
.L_overlay_start_1:
0x0: {  	(tag) =	ssettag $0x1  }
0x1: {  	s0 =	rddreg [dreg:$0x0]  }
0x2: {  	s2 =	rddreg [dreg:$0x1]  }
0x3: {  	s1 =	srdreg.scid;
	s3 =	stileid.u32  }
0x4: {  	s4 =	rddreg [dreg:$0x2];
	s13 =	simm.s32 $0xEC00;
	s14 =	simm.s32 $0xF400  }
0x5: {  	s15 =	simm.s32 $0xFC00;
	s16 =	simm.s32 $0x10400;
	s17 =	simm.s32 $0x10C00  }
0x6: {  	s18 =	simm.s32 $0x11400;
	s19 =	simm.s32 $0x11C00;
	s20 =	simm.s32 $0x12400  }
0x7: {  	s21 =	simm.s32 $0x12C00;
	s22 =	simm.s32 $0x13400;
	s23 =	simm.s32 $0x13C00  }
0x8: {  	s24 =	simm.s32 $0x14400;
	s25 =	simm.s32 $0x14C00;
	s26 =	simm.s32 $0x1  }
0x9: {  	s28 =	simm.s32 $0x2;
	s1 =	sand.u32 $0x1, s1;
	s3 =	sshll.u32 s3, $0x1  }
0xa: {  	s7 =	sor.u32 s1, s3;
	s3 =	simm.s32 $0x0;
	s1 =	ssub.s32 $0x2, s1  }
0xb: {  	s5 =	smul.u32 $0x280, s7;
	[smem:$0x7FF] =	sst s3;
	s6 =	sshrl.u32 s1, $0x1  }
0xc: {  	s30 =	sshll.u32 s7, $0x10;
	s7 =	sadd.s32 $0x300, s2;
	_ =	strace $0x80000047  }
0xd: {  	v2 =	vlaneseq.u32;
	s1 =	ssub.s32 s1, s6;
	s6 =	sadd.s32 $0x200, s2;
	s0 =	sadd.s32 s0, s5  }
0xe: {  	vm0 =	vmmov $0xffff;
	v1 =	vshrl.u32 v2, $0x3;
	s8 =	sadd.s32 s4, s30;
	s31 =	smax.u32 s1, $0x1;
	[dreg:$0x4] =	wrdreg s0  }
0xf: {  	v0 =	vand.u32 $0x7, v2;
	v2 =	vor.u32 $0x8, v2;
	v1 =	vmul.u32 $0x8, v1;
	s4 =	simm.s32 $0x0;
	s5 =	sadd.s32 $0x100, s2;
	[dreg:$0x5] =	wrdreg s31  }
.LBB2_1:
0x10: {  	[dreg:$0x6] =	wrdreg s4  }
0x11: {  	s0 =	rddreg [dreg:$0x4];
	s10 =	simm.s32 $0x5  }
0x12: {  	[tilespmem:s3], [sflag:$0x5] =	stream.linear.gather [hbm4b:s0+s3], $0x1400, $0x38;
	[tilespmem:$0x19400] =	vst v63  }
0x13: {  	_ =	swait.ge [sflag:s10], $0x1400  }
0x14: {  	[sflag:s10] =	ssyncset.done $0x0  }
0x15: {  	[sflag:s10] =	ssyncadd.s32 $0xFFFFEC00  }
0x16: {  	v3 =	vld [tilespmem:$0x0];
	_ =	sdelay $0x4  }
0x17: {  	v4 =	vshll.u32 v3, $0x3  }
0x18: {  	v3 =	vand.u32 $0x7, v3;
	v4 =	vand.u32 $0xFFFFFFC0, v4  }
0x19: {  	v3 =	vor.u32 v3, v4  }
0x1a: {  	v4 =	vperm.xlane v3, v0;
	_ =	sdelay $0x1  }
0x1b: {  	v4 =	vadd.s32 v1, v4;
	_ =	sdelay $0x3  }
0x1c: {  	s11 =	simm.s32 $0x1400  }
0x1d: {  	[tilespmem:s11], [sflag:$0x1] =	stream.indirect_vreg.gather [hbm4b:s2+s3], $0x80, v4, vm0, $0xb8;
	[tilespmem:$0x19400] =	vst v63  }
0x1e: {  	s12 =	simm.s32 $0x1C00;
	v3 =	vperm.xlane v3, v2  }
0x1f: {  	[tilespmem:s12], [sflag:$0x1] =	stream.indirect_vreg.gather [hbm4b:s5+s3], $0x80, v4, vm0, $0xb8;
	[tilespmem:$0x19400] =	vst v63  }
0x20: {  	s30 =	simm.s32 $0x2400;
	v3 =	vadd.s32 v1, v3  }
0x21: {  	[tilespmem:s30], [sflag:$0x1] =	stream.indirect_vreg.gather [hbm4b:s6+s3], $0x80, v4, vm0, $0xb8;
	[tilespmem:$0x19400] =	vst v63  }
0x22: {  	s31 =	simm.s32 $0x2C00  }
0x23: {  	[tilespmem:s31], [sflag:$0x1] =	stream.indirect_vreg.gather [hbm4b:s7+s3], $0x80, v4, vm0, $0xb8;
	[tilespmem:$0x19400] =	vst v63  }
0x24: {  	s1 =	simm.s32 $0x3400  }
0x25: {  	[tilespmem:s1], [sflag:$0x1] =	stream.indirect_vreg.gather [hbm4b:s2+s3], $0x80, v3, vm0, $0xb8;
	[tilespmem:$0x19400] =	vst v63  }
0x26: {  	s4 =	simm.s32 $0x3C00  }
0x27: {  	[tilespmem:s4], [sflag:$0x1] =	stream.indirect_vreg.gather [hbm4b:s5+s3], $0x80, v3, vm0, $0xb8;
	[tilespmem:$0x19400] =	vst v63  }
0x28: {  	s9 =	simm.s32 $0x4400  }
0x29: {  	[tilespmem:s9], [sflag:$0x1] =	stream.indirect_vreg.gather [hbm4b:s6+s3], $0x80, v3, vm0, $0xb8;
	[tilespmem:$0x19400] =	vst v63  }
0x2a: {  	s10 =	simm.s32 $0x4C00  }
0x2b: {  	[tilespmem:s10], [sflag:$0x1] =	stream.indirect_vreg.gather [hbm4b:s7+s3], $0x80, v3, vm0, $0xb8;
	[tilespmem:$0x19400] =	vst v63  }
0x2c: {  	v3 =	vld [tilespmem:$0x10];
	_ =	sdelay $0x4  }
0x2d: {  	v62 =	vshll.u32 v3, $0x3  }
0x2e: {  	v3 =	vand.u32 $0x7, v3;
	v4 =	vand.u32 $0xFFFFFFC0, v62  }
0x2f: {  	v3 =	vor.u32 v3, v4  }
0x30: {  	v4 =	vperm.xlane v3, v0;
	_ =	sdelay $0x1  }
0x31: {  	v4 =	vadd.s32 v1, v4;
	_ =	sdelay $0x3  }
0x32: {  	s11 =	simm.s32 $0x5400  }
0x33: {  	[tilespmem:s11], [sflag:$0x1] =	stream.indirect_vreg.gather [hbm4b:s2+s3], $0x80, v4, vm0, $0xb8;
	[tilespmem:$0x19400] =	vst v63  }
0x34: {  	s12 =	simm.s32 $0x5C00;
	v3 =	vperm.xlane v3, v2  }
0x35: {  	[tilespmem:s12], [sflag:$0x1] =	stream.indirect_vreg.gather [hbm4b:s5+s3], $0x80, v4, vm0, $0xb8;
	[tilespmem:$0x19400] =	vst v63  }
0x36: {  	s30 =	simm.s32 $0x6400;
	v3 =	vadd.s32 v1, v3  }
0x37: {  	[tilespmem:s30], [sflag:$0x1] =	stream.indirect_vreg.gather [hbm4b:s6+s3], $0x80, v4, vm0, $0xb8;
	[tilespmem:$0x19400] =	vst v63  }
0x38: {  	s31 =	simm.s32 $0x6C00  }
0x39: {  	[tilespmem:s31], [sflag:$0x1] =	stream.indirect_vreg.gather [hbm4b:s7+s3], $0x80, v4, vm0, $0xb8;
	[tilespmem:$0x19400] =	vst v63  }
0x3a: {  	s1 =	simm.s32 $0x7400  }
0x3b: {  	[tilespmem:s1], [sflag:$0x1] =	stream.indirect_vreg.gather [hbm4b:s2+s3], $0x80, v3, vm0, $0xb8;
	[tilespmem:$0x19400] =	vst v63  }
0x3c: {  	s4 =	simm.s32 $0x7C00  }
0x3d: {  	[tilespmem:s4], [sflag:$0x1] =	stream.indirect_vreg.gather [hbm4b:s5+s3], $0x80, v3, vm0, $0xb8;
	[tilespmem:$0x19400] =	vst v63  }
0x3e: {  	s9 =	simm.s32 $0x8400  }
0x3f: {  	[tilespmem:s9], [sflag:$0x1] =	stream.indirect_vreg.gather [hbm4b:s6+s3], $0x80, v3, vm0, $0xb8;
	[tilespmem:$0x19400] =	vst v63  }
0x40: {  	s10 =	simm.s32 $0x8C00  }
0x41: {  	[tilespmem:s10], [sflag:$0x1] =	stream.indirect_vreg.gather [hbm4b:s7+s3], $0x80, v3, vm0, $0xb8;
	[tilespmem:$0x19400] =	vst v63  }
0x42: {  	v3 =	vld.msk [tilespmem:$0x20], $0xff;
	_ =	sdelay $0x4  }
0x43: {  	v63 =	vshll.u32 v3, $0x3  }
0x44: {  	v3 =	vand.u32 $0x7, v3;
	v4 =	vand.u32 $0xFFFFFFC0, v63  }
0x45: {  	v3 =	vor.u32 v3, v4  }
0x46: {  	v3 =	vperm.xlane v3, v0;
	_ =	sdelay $0x1  }
0x47: {  	v3 =	vadd.s32 v1, v3;
	_ =	sdelay $0x3  }
0x48: {  	s11 =	simm.s32 $0x9400  }
0x49: {  	[tilespmem:s11], [sflag:$0x1] =	stream.indirect_vreg.gather [hbm4b:s2+s3], $0x80, v3, vm0, $0xb8;
	[tilespmem:$0x19400] =	vst v63  }
0x4a: {  	s12 =	simm.s32 $0x9C00  }
0x4b: {  	[tilespmem:s12], [sflag:$0x1] =	stream.indirect_vreg.gather [hbm4b:s5+s3], $0x80, v3, vm0, $0xb8;
	[tilespmem:$0x19400] =	vst v63  }
0x4c: {  	s30 =	simm.s32 $0xA400  }
0x4d: {  	[tilespmem:s30], [sflag:$0x1] =	stream.indirect_vreg.gather [hbm4b:s6+s3], $0x80, v3, vm0, $0xb8;
	[tilespmem:$0x19400] =	vst v63  }
0x4e: {  	s29 =	simm.s32 $0x0;
	s31 =	simm.s32 $0xAC00  }
0x4f: {  	[tilespmem:s31], [sflag:$0x1] =	stream.indirect_vreg.gather [hbm4b:s7+s3], $0x80, v3, vm0, $0xb8;
	[tilespmem:$0x19400] =	vst v63  }
.LBB2_2:
0x50: {  	s0 =	smul.u32 $0x280, s29;
	_ =	sdelay $0x1  }
0x51: {  	s31 =	sshra.s32 s0, $0x2  }
0x52: {  	v3 =	vld [tilespmem:s31+$0x28];
	_ =	sdelay $0x4  }
0x53: {  	v4 =	vshll.u32 v3, $0x3  }
0x54: {  	v3 =	vand.u32 $0x7, v3;
	v4 =	vand.u32 $0xFFFFFFC0, v4  }
0x55: {  	v3 =	vor.u32 v3, v4  }
0x56: {  	v4 =	vperm.xlane v3, v0;
	_ =	sdelay $0x1  }
0x57: {  	v4 =	vadd.s32 v1, v4;
	_ =	sdelay $0x3  }
0x58: {  	s30 =	simm.s32 $0xB400  }
0x59: {  	[tilespmem:s30], [sflag:$0x2] =	stream.indirect_vreg.gather [hbm4b:s2+s3], $0x80, v4, vm0, $0xb8;
	[tilespmem:$0x19400] =	vst v63  }
0x5a: {  	s1 =	simm.s32 $0xBC00;
	v3 =	vperm.xlane v3, v2  }
0x5b: {  	[tilespmem:s1], [sflag:$0x2] =	stream.indirect_vreg.gather [hbm4b:s5+s3], $0x80, v4, vm0, $0xb8;
	[tilespmem:$0x19400] =	vst v63  }
0x5c: {  	s4 =	simm.s32 $0xC400;
	v3 =	vadd.s32 v1, v3  }
0x5d: {  	[tilespmem:s4], [sflag:$0x2] =	stream.indirect_vreg.gather [hbm4b:s6+s3], $0x80, v4, vm0, $0xb8;
	[tilespmem:$0x19400] =	vst v63  }
0x5e: {  	s9 =	simm.s32 $0xCC00  }
0x5f: {  	[tilespmem:s9], [sflag:$0x2] =	stream.indirect_vreg.gather [hbm4b:s7+s3], $0x80, v4, vm0, $0xb8;
	[tilespmem:$0x19400] =	vst v63  }
0x60: {  	s10 =	simm.s32 $0xD400  }
0x61: {  	[tilespmem:s10], [sflag:$0x2] =	stream.indirect_vreg.gather [hbm4b:s2+s3], $0x80, v3, vm0, $0xb8;
	[tilespmem:$0x19400] =	vst v63  }
0x62: {  	s11 =	simm.s32 $0xDC00  }
0x63: {  	[tilespmem:s11], [sflag:$0x2] =	stream.indirect_vreg.gather [hbm4b:s5+s3], $0x80, v3, vm0, $0xb8;
	[tilespmem:$0x19400] =	vst v63  }
0x64: {  	s12 =	simm.s32 $0xE400  }
0x65: {  	[tilespmem:s12], [sflag:$0x2] =	stream.indirect_vreg.gather [hbm4b:s6+s3], $0x80, v3, vm0, $0xb8;
	[tilespmem:$0x19400] =	vst v63  }
0x66: {  	_ = 	snop  }
0x67: {  	[tilespmem:s13], [sflag:$0x2] =	stream.indirect_vreg.gather [hbm4b:s7+s3], $0x80, v3, vm0, $0xb8;
	[tilespmem:$0x19400] =	vst v63  }
0x68: {  	v3 =	vld [tilespmem:s31+$0x38];
	_ =	sdelay $0x4  }
0x69: {  	v4 =	vshll.u32 v3, $0x3  }
0x6a: {  	v3 =	vand.u32 $0x7, v3;
	v4 =	vand.u32 $0xFFFFFFC0, v4  }
0x6b: {  	v3 =	vor.u32 v3, v4  }
0x6c: {  	v4 =	vperm.xlane v3, v0;
	_ =	sdelay $0x1  }
0x6d: {  	v4 =	vadd.s32 v1, v4;
	_ =	sdelay $0x4  }
0x6e: {  	[tilespmem:s14], [sflag:$0x2] =	stream.indirect_vreg.gather [hbm4b:s2+s3], $0x80, v4, vm0, $0xb8;
	[tilespmem:$0x19400] =	vst v63  }
0x6f: {  	v3 =	vperm.xlane v3, v2  }
0x70: {  	[tilespmem:s15], [sflag:$0x2] =	stream.indirect_vreg.gather [hbm4b:s5+s3], $0x80, v4, vm0, $0xb8;
	[tilespmem:$0x19400] =	vst v63  }
0x71: {  	v3 =	vadd.s32 v1, v3  }
0x72: {  	[tilespmem:s16], [sflag:$0x2] =	stream.indirect_vreg.gather [hbm4b:s6+s3], $0x80, v4, vm0, $0xb8;
	[tilespmem:$0x19400] =	vst v63  }
0x73: {  	_ = 	snop  }
0x74: {  	[tilespmem:s17], [sflag:$0x2] =	stream.indirect_vreg.gather [hbm4b:s7+s3], $0x80, v4, vm0, $0xb8;
	[tilespmem:$0x19400] =	vst v63  }
0x75: {  	_ = 	snop  }
0x76: {  	[tilespmem:s18], [sflag:$0x2] =	stream.indirect_vreg.gather [hbm4b:s2+s3], $0x80, v3, vm0, $0xb8;
	[tilespmem:$0x19400] =	vst v63  }
0x77: {  	_ = 	snop  }
0x78: {  	[tilespmem:s19], [sflag:$0x2] =	stream.indirect_vreg.gather [hbm4b:s5+s3], $0x80, v3, vm0, $0xb8;
	[tilespmem:$0x19400] =	vst v63  }
0x79: {  	_ = 	snop  }
0x7a: {  	[tilespmem:s20], [sflag:$0x2] =	stream.indirect_vreg.gather [hbm4b:s6+s3], $0x80, v3, vm0, $0xb8;
	[tilespmem:$0x19400] =	vst v63  }
0x7b: {  	_ = 	snop  }
0x7c: {  	[tilespmem:s21], [sflag:$0x2] =	stream.indirect_vreg.gather [hbm4b:s7+s3], $0x80, v3, vm0, $0xb8;
	[tilespmem:$0x19400] =	vst v63  }
0x7d: {  	v3 =	vld.msk [tilespmem:s31+$0x48], $0xff;
	_ =	sdelay $0x4  }
0x7e: {  	v4 =	vshll.u32 v3, $0x3  }
0x7f: {  	v3 =	vand.u32 $0x7, v3;
	v4 =	vand.u32 $0xFFFFFFC0, v4  }
0x80: {  	v3 =	vor.u32 v3, v4  }
0x81: {  	v3 =	vperm.xlane v3, v0;
	_ =	sdelay $0x1  }
0x82: {  	v3 =	vadd.s32 v1, v3;
	_ =	sdelay $0x4  }
0x83: {  	[tilespmem:s22], [sflag:$0x2] =	stream.indirect_vreg.gather [hbm4b:s2+s3], $0x80, v3, vm0, $0xb8;
	[tilespmem:$0x19400] =	vst v63  }
0x84: {  	_ = 	snop  }
0x85: {  	[tilespmem:s23], [sflag:$0x2] =	stream.indirect_vreg.gather [hbm4b:s5+s3], $0x80, v3, vm0, $0xb8;
	[tilespmem:$0x19400] =	vst v63  }
0x86: {  	p0 =	seq.s32 s29, $0x0  }
0x87: {  	[tilespmem:s24], [sflag:$0x2] =	stream.indirect_vreg.gather [hbm4b:s6+s3], $0x80, v3, vm0, $0xb8;
	[tilespmem:$0x19400] =	vst v63  }
0x88: {  	s0 =	simm.s32 @!p0 $0x3  }
0x89: {  	[tilespmem:s25], [sflag:$0x2] =	stream.indirect_vreg.gather [hbm4b:s7+s3], $0x80, v3, vm0, $0xb8;
	[tilespmem:$0x19400] =	vst v63  }
0x8a: {  	_ =	swait.ge @!p0 [sflag:s0], $0x2000  }
0x8b: {  	[sflag:s0] =	ssyncset.done @!p0 $0x0  }
0x8c: {  	[sflag:s0] =	ssyncadd.s32 @!p0 $0xFFFFE000  }
0x8d: {  	s4 =	simm.s32 $0x0;
	_ =	swait.ge [sflag:s26], $0xA000  }
0x8e: {  	s30 =	sand.u32 $0x70, s4;
	s1 =	sand.u32 $0x1C00, s4;
	[sflag:s26] =	ssyncset.done $0x0  }
0x8f: {  	s1 =	sor.u32 s30, s1;
	[sflag:s26] =	ssyncadd.s32 $0xFFFF6000  }
0x90: {  	v3 =	vld [tilespmem:s1+$0x5500]  }
0x91: {  	v4 =	vld [tilespmem:s1+$0x7600]  }
0x92: {  	v6 =	vld [tilespmem:s1+$0x5480]  }
0x93: {  	v5 =	vld [tilespmem:s1+$0x7580]  }
0x94: {  	v8 =	vld [tilespmem:s1+$0x5400]  }
0x95: {  	v7 =	vld [tilespmem:s1+$0x7500]  }
0x96: {  	v10 =	vld [tilespmem:s1+$0x3780]  }
0x97: {  	v9 =	vld [tilespmem:s1+$0x7480]  }
0x98: {  	v12 =	vld [tilespmem:s1+$0x3700]  }
0x99: {  	v11 =	vld [tilespmem:s1+$0x7400]  }
0x9a: {  	v13 =	vld [tilespmem:s1+$0x3680]  }
0x9b: {  	v14 =	vld [tilespmem:s1+$0x3600]  }
0x9c: {  	v15 =	vld [tilespmem:s1+$0x3500]  }
0x9d: {  	v17 =	vld [tilespmem:s1+$0x3580]  }
0x9e: {  	v19 =	vld [tilespmem:s1+$0x5600]  }
0x9f: {  	v20 =	vld [tilespmem:s1+$0x5680]  }
0xa0: {  	v21 =	vld [tilespmem:s1+$0x7700]  }
0xa1: {  	v22 =	vld [tilespmem:s1+$0x7780]  }
0xa2: {  	v18 =	vld [tilespmem:s1+$0x5700]  }
0xa3: {  	v16 =	vld [tilespmem:s1+$0x9400]  }
0xa4: {  	v23 =	vadd.f32 v17, v15;
	v17 =	vld [tilespmem:s1+$0x5780]  }
0xa5: {  	s9 =	simm.s32 $0x0;
	v19 =	vadd.f32 v20, v19;
	v15 =	vld [tilespmem:s1+$0x9480]  }
0xa6: {  	s10 =	simm.s32 $0x0;
	s11 =	simm.s32 $0x10;
	s0 =	sshll.u32 s29, $0x2;
	v21 =	vadd.f32 v22, v21;
	v20 =	vadd.f32 v14, v23;
	v14 =	vld [tilespmem:s1+$0x9500]  }
.LBB2_3:
0xa7: {  	p1 =	sne.s32 s11, $0x3F0;
	v22 =	vld [tilespmem:s1+$0x1400];
	v18 =	vadd.f32 v18, v19  }
0xa8: {  	v19 =	vld [tilespmem:s1+$0x1480];
	v13 =	vadd.f32 v13, v20;
	v16 =	vadd.f32 v16, v21  }
0xa9: {  	v17 =	vadd.f32 v17, v18;
	v18 =	vld [tilespmem:s1+$0x9580]  }
0xaa: {  	v20 =	vld [tilespmem:s1+$0x1500];
	v12 =	vadd.f32 v12, v13;
	v13 =	vadd.f32 v15, v16  }
0xab: {  	v11 =	vadd.f32 v11, v17;
	v15 =	vld [tilespmem:s1+$0x9600]  }
0xac: {  	v16 =	vld [tilespmem:s1+$0x1580];
	v10 =	vadd.f32 v10, v12;
	v12 =	vadd.f32 v14, v13  }
0xad: {  	v13 =	vadd.f32 v19, v22;
	v9 =	vadd.f32 v9, v11;
	v11 =	vld [tilespmem:s1+$0x9680]  }
0xae: {  	v14 =	vld [tilespmem:s1+$0x1600];
	v8 =	vadd.f32 v8, v10;
	v10 =	vadd.f32 v18, v12  }
0xaf: {  	v12 =	vadd.f32 v20, v13;
	v7 =	vadd.f32 v7, v9;
	v9 =	vld [tilespmem:s1+$0x9700]  }
0xb0: {  	s4 =	sadd.s32 $0x80, s4;
	v13 =	vld [tilespmem:s1+$0x1680];
	v6 =	vadd.f32 v6, v8;
	v8 =	vadd.f32 v15, v10  }
0xb1: {  	s30 =	sand.u32 $0x70, s11;
	s12 =	sand.u32 $0x1C00, s4;
	v10 =	vadd.f32 v16, v12;
	v12 =	vld [tilespmem:s1+$0x3400];
	v5 =	vadd.f32 v5, v7  }
0xb2: {  	s10 =	sor.u32 s9, s10;
	s9 =	smov.u32 s4;
	s12 =	sor.u32 s30, s12;
	v7 =	vld [tilespmem:s1+$0x1700];
	v6 =	vadd.f32 v3, v6;
	v8 =	vadd.f32 v11, v8  }
0xb3: {  	s30 =	sor.u32 $0x380, s10;
	s10 =	smov.u32 s11;
	v3 =	vld [tilespmem:s12+$0x5500];
	v10 =	vadd.f32 v14, v10;
	v5 =	vadd.f32 v4, v5  }
0xb4: {  	v11 =	vld [tilespmem:s30+$0x1400];
	[tilespmem:s1+$0x15480] =	vst v6;
	v8 =	vadd.f32 v9, v8  }
0xb5: {  	v4 =	vld [tilespmem:s12+$0x7600];
	v9 =	vadd.f32 v13, v10;
	[tilespmem:s1+$0x15500] =	vst v5  }
0xb6: {  	v6 =	vld [tilespmem:s12+$0x5480];
	[tilespmem:s1+$0x15580] =	vst v8  }
0xb7: {  	v5 =	vld [tilespmem:s12+$0x7580];
	v9 =	vadd.f32 v7, v9  }
0xb8: {  	v8 =	vld [tilespmem:s12+$0x5400]  }
0xb9: {  	v7 =	vld [tilespmem:s12+$0x7500];
	v11 =	vadd.f32 v11, v9  }
0xba: {  	v10 =	vld [tilespmem:s12+$0x3780]  }
0xbb: {  	v9 =	vld [tilespmem:s12+$0x7480];
	v13 =	vadd.f32 v12, v11  }
0xbc: {  	v12 =	vld [tilespmem:s12+$0x3700]  }
0xbd: {  	v11 =	vld [tilespmem:s12+$0x7400];
	[tilespmem:s1+$0x15400] =	vst v13;
	s1 =	smov.u32 s12  }
0xbe: {  	v13 =	vld [tilespmem:s1+$0x3680]  }
0xbf: {  	v14 =	vld [tilespmem:s1+$0x3600]  }
0xc0: {  	v15 =	vld [tilespmem:s1+$0x3500]  }
0xc1: {  	v17 =	vld [tilespmem:s1+$0x3580]  }
0xc2: {  	v19 =	vld [tilespmem:s1+$0x5600]  }
0xc3: {  	v20 =	vld [tilespmem:s1+$0x5680]  }
0xc4: {  	v21 =	vld [tilespmem:s1+$0x7700]  }
0xc5: {  	v22 =	vld [tilespmem:s1+$0x7780]  }
.Ltmp0:
0xc6: {  	v18 =	vld [tilespmem:s1+$0x5700];
	(pc) =	sbr.rel @p1 .LBB2_3-.Ltmp0, $4  }
0xc7: {  	v16 =	vld [tilespmem:s1+$0x9400]  }
0xc8: {  	v23 =	vadd.f32 v17, v15;
	v17 =	vld [tilespmem:s1+$0x5780]  }
0xc9: {  	v19 =	vadd.f32 v20, v19;
	v15 =	vld [tilespmem:s1+$0x9480]  }
0xca: {  	s11 =	sadd.s32 $0x10, s11;
	v20 =	vadd.f32 v14, v23;
	v21 =	vadd.f32 v22, v21;
	v14 =	vld [tilespmem:s1+$0x9500]  }
0xcb: {  	v22 =	vld [tilespmem:s1+$0x1400]  }
0xcc: {  	v23 =	vld [tilespmem:s1+$0x1480];
	_ =	sdelay $0x1  }
0xcd: {  	v24 =	vld [tilespmem:s1+$0x1500];
	_ =	sdelay $0x1  }
0xce: {  	v25 =	vld [tilespmem:s1+$0x1580]  }
0xcf: {  	v18 =	vadd.f32 v18, v19;
	v47 =	vadd.f32 v23, v22  }
0xd0: {  	v48 =	vld [tilespmem:s1+$0x1600];
	v13 =	vadd.f32 v13, v20;
	v16 =	vadd.f32 v16, v21  }
0xd1: {  	v49 =	vld [tilespmem:s1+$0x9580];
	v17 =	vadd.f32 v17, v18;
	v19 =	vadd.f32 v24, v47  }
0xd2: {  	v12 =	vadd.f32 v12, v13;
	v13 =	vadd.f32 v15, v16;
	v15 =	vld [tilespmem:s1+$0x1680]  }
0xd3: {  	v50 =	vld [tilespmem:s1+$0x9600];
	v11 =	vadd.f32 v11, v17;
	v51 =	vadd.f32 v25, v19  }
0xd4: {  	s4 =	sor.u32 s9, s10;
	v10 =	vadd.f32 v10, v12;
	v12 =	vadd.f32 v14, v13;
	v13 =	vld [tilespmem:s1+$0x1700]  }
0xd5: {  	s4 =	sor.u32 $0x380, s4;
	v9 =	vadd.f32 v9, v11;
	v11 =	vld [tilespmem:s1+$0x9680];
	v14 =	vadd.f32 v48, v51  }
0xd6: {  	v8 =	vadd.f32 v8, v10;
	v10 =	vadd.f32 v49, v12;
	v12 =	vld [tilespmem:s4+$0x1400]  }
0xd7: {  	v7 =	vadd.f32 v7, v9;
	v9 =	vld [tilespmem:s1+$0x9700];
	v14 =	vadd.f32 v15, v14  }
0xd8: {  	v6 =	vadd.f32 v6, v8;
	v8 =	vadd.f32 v50, v10;
	v10 =	vld [tilespmem:s1+$0x3400]  }
0xd9: {  	v5 =	vadd.f32 v5, v7;
	v7 =	vadd.f32 v13, v14  }
0xda: {  	v3 =	vadd.f32 v3, v6;
	v6 =	vadd.f32 v11, v8  }
0xdb: {  	v4 =	vadd.f32 v4, v5;
	v5 =	vadd.f32 v12, v7  }
0xdc: {  	s30 =	sor.u32 $0x2, s0;
	[tilespmem:s1+$0x15480] =	vst v3;
	v3 =	vadd.f32 v9, v6  }
0xdd: {  	s0 =	smul.u32 $0xA0, s30;
	[tilespmem:s1+$0x15500] =	vst v4;
	v4 =	vadd.f32 v10, v5  }
0xde: {  	[tilespmem:s1+$0x15580] =	vst v3  }
0xdf: {  	[tilespmem:s1+$0x15400] =	vst v4;
	s1 =	sshra.s32 s0, $0x2  }
0xe0: {  	v3 =	vld [tilespmem:s1+$0x0];
	_ =	sdelay $0x4  }
0xe1: {  	v4 =	vshll.u32 v3, $0x3  }
0xe2: {  	v3 =	vand.u32 $0x7, v3;
	v4 =	vand.u32 $0xFFFFFFC0, v4  }
0xe3: {  	v3 =	vor.u32 v3, v4  }
0xe4: {  	v4 =	vperm.xlane v3, v0;
	_ =	sdelay $0x1  }
0xe5: {  	v4 =	vadd.s32 v1, v4;
	_ =	sdelay $0x3  }
0xe6: {  	s12 =	simm.s32 $0x1400;
	s0 =	simm.s32 $0x0  }
0xe7: {  	[tilespmem:s12], [sflag:$0x1] =	stream.indirect_vreg.gather [hbm4b:s2+s0], $0x80, v4, vm0, $0xb8;
	[tilespmem:$0x19400] =	vst v63  }
0xe8: {  	s9 =	simm.s32 $0x1C00;
	v3 =	vperm.xlane v3, v2  }
0xe9: {  	[tilespmem:s9], [sflag:$0x1] =	stream.indirect_vreg.gather [hbm4b:s5+s0], $0x80, v4, vm0, $0xb8;
	[tilespmem:$0x19400] =	vst v63  }
0xea: {  	s10 =	simm.s32 $0x2400;
	v3 =	vadd.s32 v1, v3  }
0xeb: {  	[tilespmem:s10], [sflag:$0x1] =	stream.indirect_vreg.gather [hbm4b:s6+s0], $0x80, v4, vm0, $0xb8;
	[tilespmem:$0x19400] =	vst v63  }
0xec: {  	s11 =	simm.s32 $0x2C00  }
0xed: {  	[tilespmem:s11], [sflag:$0x1] =	stream.indirect_vreg.gather [hbm4b:s7+s0], $0x80, v4, vm0, $0xb8;
	[tilespmem:$0x19400] =	vst v63  }
0xee: {  	s12 =	simm.s32 $0x3400  }
0xef: {  	[tilespmem:s12], [sflag:$0x1] =	stream.indirect_vreg.gather [hbm4b:s2+s0], $0x80, v3, vm0, $0xb8;
	[tilespmem:$0x19400] =	vst v63  }
0xf0: {  	s9 =	simm.s32 $0x3C00  }
0xf1: {  	[tilespmem:s9], [sflag:$0x1] =	stream.indirect_vreg.gather [hbm4b:s5+s0], $0x80, v3, vm0, $0xb8;
	[tilespmem:$0x19400] =	vst v63  }
0xf2: {  	s10 =	simm.s32 $0x4400  }
0xf3: {  	[tilespmem:s10], [sflag:$0x1] =	stream.indirect_vreg.gather [hbm4b:s6+s0], $0x80, v3, vm0, $0xb8;
	[tilespmem:$0x19400] =	vst v63  }
0xf4: {  	s11 =	simm.s32 $0x4C00  }
0xf5: {  	[tilespmem:s11], [sflag:$0x1] =	stream.indirect_vreg.gather [hbm4b:s7+s0], $0x80, v3, vm0, $0xb8;
	[tilespmem:$0x19400] =	vst v63  }
0xf6: {  	v3 =	vld [tilespmem:s1+$0x10];
	_ =	sdelay $0x4  }
0xf7: {  	v4 =	vshll.u32 v3, $0x3  }
0xf8: {  	v3 =	vand.u32 $0x7, v3;
	v4 =	vand.u32 $0xFFFFFFC0, v4  }
0xf9: {  	v3 =	vor.u32 v3, v4  }
0xfa: {  	v4 =	vperm.xlane v3, v0;
	_ =	sdelay $0x1  }
0xfb: {  	v4 =	vadd.s32 v1, v4;
	_ =	sdelay $0x3  }
0xfc: {  	s12 =	simm.s32 $0x5400  }
0xfd: {  	[tilespmem:s12], [sflag:$0x1] =	stream.indirect_vreg.gather [hbm4b:s2+s0], $0x80, v4, vm0, $0xb8;
	[tilespmem:$0x19400] =	vst v63  }
0xfe: {  	s9 =	simm.s32 $0x5C00;
	v3 =	vperm.xlane v3, v2  }
0xff: {  	[tilespmem:s9], [sflag:$0x1] =	stream.indirect_vreg.gather [hbm4b:s5+s0], $0x80, v4, vm0, $0xb8;
	[tilespmem:$0x19400] =	vst v63  }
0x100: {  	s10 =	simm.s32 $0x6400;
	v3 =	vadd.s32 v1, v3  }
0x101: {  	[tilespmem:s10], [sflag:$0x1] =	stream.indirect_vreg.gather [hbm4b:s6+s0], $0x80, v4, vm0, $0xb8;
	[tilespmem:$0x19400] =	vst v63  }
0x102: {  	s11 =	simm.s32 $0x6C00  }
0x103: {  	[tilespmem:s11], [sflag:$0x1] =	stream.indirect_vreg.gather [hbm4b:s7+s0], $0x80, v4, vm0, $0xb8;
	[tilespmem:$0x19400] =	vst v63  }
0x104: {  	s12 =	simm.s32 $0x7400  }
0x105: {  	[tilespmem:s12], [sflag:$0x1] =	stream.indirect_vreg.gather [hbm4b:s2+s0], $0x80, v3, vm0, $0xb8;
	[tilespmem:$0x19400] =	vst v63  }
0x106: {  	s9 =	simm.s32 $0x7C00  }
0x107: {  	[tilespmem:s9], [sflag:$0x1] =	stream.indirect_vreg.gather [hbm4b:s5+s0], $0x80, v3, vm0, $0xb8;
	[tilespmem:$0x19400] =	vst v63  }
0x108: {  	s10 =	simm.s32 $0x8400  }
0x109: {  	[tilespmem:s10], [sflag:$0x1] =	stream.indirect_vreg.gather [hbm4b:s6+s0], $0x80, v3, vm0, $0xb8;
	[tilespmem:$0x19400] =	vst v63  }
0x10a: {  	s11 =	simm.s32 $0x8C00  }
0x10b: {  	[tilespmem:s11], [sflag:$0x1] =	stream.indirect_vreg.gather [hbm4b:s7+s0], $0x80, v3, vm0, $0xb8;
	[tilespmem:$0x19400] =	vst v63  }
0x10c: {  	v3 =	vld.msk [tilespmem:s1+$0x20], $0xff;
	_ =	sdelay $0x4  }
0x10d: {  	v4 =	vshll.u32 v3, $0x3  }
0x10e: {  	v3 =	vand.u32 $0x7, v3;
	v4 =	vand.u32 $0xFFFFFFC0, v4  }
0x10f: {  	v3 =	vor.u32 v3, v4  }
0x110: {  	v3 =	vperm.xlane v3, v0;
	_ =	sdelay $0x1  }
0x111: {  	v3 =	vadd.s32 v1, v3;
	_ =	sdelay $0x3  }
0x112: {  	s12 =	simm.s32 $0x9400  }
0x113: {  	[tilespmem:s12], [sflag:$0x1] =	stream.indirect_vreg.gather [hbm4b:s2+s0], $0x80, v3, vm0, $0xb8;
	[tilespmem:$0x19400] =	vst v63  }
0x114: {  	s4 =	simm.s32 $0x9C00  }
0x115: {  	[tilespmem:s4], [sflag:$0x1] =	stream.indirect_vreg.gather [hbm4b:s5+s0], $0x80, v3, vm0, $0xb8;
	[tilespmem:$0x19400] =	vst v63  }
0x116: {  	s9 =	simm.s32 $0xA400  }
0x117: {  	[tilespmem:s9], [sflag:$0x1] =	stream.indirect_vreg.gather [hbm4b:s6+s0], $0x80, v3, vm0, $0xb8;
	[tilespmem:$0x19400] =	vst v63  }
0x118: {  	s10 =	simm.s32 $0xAC00  }
0x119: {  	[tilespmem:s10], [sflag:$0x1] =	stream.indirect_vreg.gather [hbm4b:s7+s0], $0x80, v3, vm0, $0xb8;
	[tilespmem:$0x19400] =	vst v63  }
0x11a: {  	_ =	swait.ge [sflag:s28], $0xA000  }
0x11b: {  	s11 =	sand.u32 $0x70, s0;
	s12 =	sand.u32 $0x1C00, s0;
	[sflag:s28] =	ssyncset.done $0x0  }
0x11c: {  	s1 =	sor.u32 s11, s12;
	[sflag:s28] =	ssyncadd.s32 $0xFFFF6000  }
0x11d: {  	v3 =	vld [tilespmem:s1+$0xD580]  }
0x11e: {  	v6 =	vld [tilespmem:s1+$0xD700]  }
0x11f: {  	v5 =	vld [tilespmem:s1+$0xD680]  }
0x120: {  	v7 =	vld [tilespmem:s1+$0x13580]  }
0x121: {  	v8 =	vld [tilespmem:s1+$0x11400]  }
0x122: {  	v9 =	vld [tilespmem:s1+$0xB580]  }
0x123: {  	v10 =	vld [tilespmem:s1+$0x13500]  }
0x124: {  	v11 =	vld [tilespmem:s1+$0xB500]  }
0x125: {  	v12 =	vld [tilespmem:s1+$0xF780]  }
0x126: {  	v4 =	vld [tilespmem:s1+$0x13480]  }
0x127: {  	v13 =	vld [tilespmem:s1+$0xD600]  }
0x128: {  	v14 =	vld [tilespmem:s1+$0x13400]  }
0x129: {  	v15 =	vld [tilespmem:s1+$0x11780]  }
0x12a: {  	v52 =	vld [tilespmem:s1+$0x11700]  }
0x12b: {  	v53 =	vld [tilespmem:s1+$0xF700]  }
0x12c: {  	v54 =	vld [tilespmem:s1+$0xF680]  }
0x12d: {  	v55 =	vld [tilespmem:s1+$0xB480]  }
0x12e: {  	v56 =	vld [tilespmem:s1+$0xD500]  }
0x12f: {  	v57 =	vld [tilespmem:s1+$0xF600]  }
0x130: {  	v58 =	vld [tilespmem:s1+$0xB400]  }
0x131: {  	v59 =	vld [tilespmem:s1+$0xD780];
	v15 =	vadd.f32 v15, v52  }
0x132: {  	v60 =	vld [tilespmem:s1+$0x13680]  }
0x133: {  	v61 =	vld [tilespmem:s1+$0x13600];
	v14 =	vadd.f32 v14, v15  }
0x134: {  	v62 =	vld [tilespmem:s1+$0x11480];
	v20 =	vadd.f32 v3, v56  }
0x135: {  	v63 =	vld [tilespmem:s1+$0xF400];
	v18 =	vadd.f32 v54, v57;
	v14 =	vadd.f32 v4, v14  }
0x136: {  	v3 =	vld [tilespmem:s1+$0x11500];
	v19 =	vadd.f32 v55, v58;
	v13 =	vadd.f32 v13, v20  }
0x137: {  	v17 =	vadd.f32 v53, v18;
	v10 =	vadd.f32 v10, v14;
	v14 =	vld [tilespmem:s1+$0xB600]  }
0x138: {  	s0 =	sor.u32 s0, s0;
	v15 =	vld [tilespmem:s1+$0xB680];
	v11 =	vadd.f32 v11, v19;
	v13 =	vadd.f32 v5, v13  }
0x139: {  	s9 =	sor.u32 $0x380, s0;
	v4 =	vld [tilespmem:s1+$0xB700];
	v12 =	vadd.f32 v12, v17;
	v7 =	vadd.f32 v7, v10  }
0x13a: {  	v9 =	vadd.f32 v9, v11;
	v5 =	vld [tilespmem:s9+$0xB400];
	v10 =	vadd.f32 v6, v13  }
0x13b: {  	v11 =	vadd.f32 v8, v12;
	v8 =	vld [tilespmem:s1+$0x11580];
	v7 =	vadd.f32 v61, v7  }
0x13c: {  	s4 =	simm.s32 $0x10;
	s10 =	simm.s32 $0x80;
	v6 =	vld [tilespmem:s1+$0xF480];
	v10 =	vadd.f32 v59, v10;
	v12 =	vadd.f32 v14, v9  }
0x13d: {  	s12 =	sor.u32 s10, s4;
	s0 =	sand.u32 $0x70, s4;
	s11 =	sand.u32 $0x1C00, s10;
	v11 =	vadd.f32 v62, v11;
	v9 =	vld [tilespmem:s1+$0xF500];
	v7 =	vadd.f32 v60, v7  }
0x13e: {  	s4 =	sor.u32 s0, s11;
	s11 =	simm.s32 $0x20;
	s0 =	sor.u32 $0x380, s12;
	v13 =	vadd.f32 v63, v10;
	v10 =	vld [tilespmem:s1+$0x11600];
	v12 =	vadd.f32 v15, v12  }
.LBB2_5:
0x13f: {  	p1 =	sne.s32 s11, $0x3F0  }
0x140: {  	s10 =	sadd.s32 $0x80, s10;
	v14 =	vld [tilespmem:s1+$0xD400];
	v3 =	vadd.f32 v3, v11;
	s12 =	smov.u32 s11;
	s11 =	sadd.s32 $0x10, s11  }
0x141: {  	v4 =	vadd.f32 v4, v12;
	v6 =	vadd.f32 v6, v13;
	v11 =	vld [tilespmem:s1+$0x13700]  }
0x142: {  	v3 =	vadd.f32 v8, v3  }
0x143: {  	v4 =	vadd.f32 v5, v4;
	v5 =	vadd.f32 v9, v6  }
0x144: {  	v3 =	vadd.f32 v10, v3  }
0x145: {  	v4 =	vadd.f32 v14, v4;
	[tilespmem:s1+$0x15680] =	vst v5  }
0x146: {  	[tilespmem:s1+$0x15700] =	vst v3;
	v3 =	vadd.f32 v11, v7  }
0x147: {  	[tilespmem:s1+$0x15600] =	vst v4;
	s1 =	smov.u32 s4  }
0x148: {  	[tilespmem:s9+$0x15400] =	vst v3;
	s9 =	smov.u32 s0  }
0x149: {  	v3 =	vld [tilespmem:s1+$0xD580]  }
0x14a: {  	v6 =	vld [tilespmem:s1+$0xD700]  }
0x14b: {  	v5 =	vld [tilespmem:s1+$0xD680]  }
0x14c: {  	v7 =	vld [tilespmem:s1+$0x13580]  }
0x14d: {  	v8 =	vld [tilespmem:s1+$0x11400]  }
0x14e: {  	v9 =	vld [tilespmem:s1+$0xB580]  }
0x14f: {  	v10 =	vld [tilespmem:s1+$0x13500]  }
0x150: {  	v11 =	vld [tilespmem:s1+$0xB500]  }
0x151: {  	v12 =	vld [tilespmem:s1+$0xF780]  }
0x152: {  	s0 =	sor.u32 s10, s12;
	v4 =	vld [tilespmem:s1+$0x13480]  }
0x153: {  	s4 =	sand.u32 $0x70, s12;
	s12 =	sand.u32 $0x1C00, s10;
	s0 =	sor.u32 $0x380, s0;
	v13 =	vld [tilespmem:s1+$0xD600]  }
0x154: {  	s4 =	sor.u32 s4, s12;
	v14 =	vld [tilespmem:s1+$0x13400]  }
0x155: {  	v15 =	vld [tilespmem:s1+$0x11780]  }
0x156: {  	v16 =	vld [tilespmem:s1+$0x11700]  }
0x157: {  	v17 =	vld [tilespmem:s1+$0xF700]  }
0x158: {  	v18 =	vld [tilespmem:s1+$0xF680]  }
0x159: {  	v19 =	vld [tilespmem:s1+$0xB480]  }
0x15a: {  	v20 =	vld [tilespmem:s1+$0xD500]  }
0x15b: {  	v21 =	vld [tilespmem:s1+$0xF600];
	v15 =	vadd.f32 v15, v16  }
0x15c: {  	v16 =	vld [tilespmem:s1+$0xB400]  }
0x15d: {  	v22 =	vld [tilespmem:s1+$0xD780];
	v14 =	vadd.f32 v14, v15  }
0x15e: {  	v15 =	vld [tilespmem:s1+$0x13680]  }
0x15f: {  	v23 =	vld [tilespmem:s1+$0xB680];
	v20 =	vadd.f32 v3, v20  }
0x160: {  	v14 =	vadd.f32 v4, v14;
	v3 =	vld [tilespmem:s1+$0x11500]  }
0x161: {  	v18 =	vadd.f32 v18, v21;
	v4 =	vld [tilespmem:s1+$0xB700];
	v13 =	vadd.f32 v13, v20  }
0x162: {  	v16 =	vadd.f32 v19, v16;
	v10 =	vadd.f32 v10, v14;
	v14 =	vld [tilespmem:s1+$0x13600]  }
0x163: {  	v17 =	vadd.f32 v17, v18;
	v19 =	vld [tilespmem:s1+$0xB600]  }
0x164: {  	v11 =	vadd.f32 v11, v16;
	v13 =	vadd.f32 v5, v13;
	v16 =	vld [tilespmem:s1+$0x11480]  }
0x165: {  	v7 =	vadd.f32 v7, v10;
	v12 =	vadd.f32 v12, v17;
	v18 =	vld [tilespmem:s1+$0xF400]  }
.Ltmp1:
0x166: {  	v9 =	vadd.f32 v9, v11;
	v10 =	vadd.f32 v6, v13;
	v5 =	vld [tilespmem:s9+$0xB400];
	(pc) =	sbr.rel @p1 .LBB2_5-.Ltmp1, $4  }
0x167: {  	v11 =	vadd.f32 v8, v12;
	v6 =	vld [tilespmem:s1+$0xF480];
	v7 =	vadd.f32 v14, v7  }
0x168: {  	v10 =	vadd.f32 v22, v10;
	v12 =	vadd.f32 v19, v9;
	v8 =	vld [tilespmem:s1+$0x11580]  }
0x169: {  	v9 =	vld [tilespmem:s1+$0xF500];
	v11 =	vadd.f32 v16, v11;
	v7 =	vadd.f32 v15, v7  }
0x16a: {  	v12 =	vadd.f32 v23, v12;
	v13 =	vadd.f32 v18, v10;
	v10 =	vld [tilespmem:s1+$0x11600]  }
0x16b: {  	v14 =	vld [tilespmem:s1+$0xD400];
	v3 =	vadd.f32 v3, v11  }
0x16c: {  	v11 =	vld [tilespmem:s1+$0x13700];
	v4 =	vadd.f32 v4, v12;
	v6 =	vadd.f32 v6, v13  }
0x16d: {  	v3 =	vadd.f32 v8, v3  }
0x16e: {  	v4 =	vadd.f32 v5, v4;
	v5 =	vadd.f32 v9, v6  }
0x16f: {  	v3 =	vadd.f32 v10, v3  }
0x170: {  	v4 =	vadd.f32 v14, v4;
	[tilespmem:s1+$0x15680] =	vst v5  }
0x171: {  	[tilespmem:s1+$0x15700] =	vst v3;
	v3 =	vadd.f32 v11, v7  }
0x172: {  	[tilespmem:s1+$0x15600] =	vst v4  }
0x173: {  	[tilespmem:s9+$0x15400] =	vst v3  }
0x174: {  	v3 =	vld [tilespmem:s4+$0xD580]  }
0x175: {  	v4 =	vld [tilespmem:s4+$0xD700]  }
0x176: {  	v5 =	vld [tilespmem:s4+$0xD680]  }
0x177: {  	v6 =	vld [tilespmem:s4+$0x13580]  }
0x178: {  	v7 =	vld [tilespmem:s4+$0x11400]  }
0x179: {  	v8 =	vld [tilespmem:s4+$0xB580]  }
0x17a: {  	v9 =	vld [tilespmem:s4+$0x13500]  }
0x17b: {  	v10 =	vld [tilespmem:s4+$0xB500]  }
0x17c: {  	v11 =	vld [tilespmem:s4+$0xF780]  }
0x17d: {  	v12 =	vld [tilespmem:s4+$0x13480]  }
0x17e: {  	v13 =	vld [tilespmem:s4+$0xD600]  }
0x17f: {  	v14 =	vld [tilespmem:s4+$0x13400]  }
0x180: {  	v15 =	vld [tilespmem:s4+$0x11780]  }
0x181: {  	v16 =	vld [tilespmem:s4+$0x11700]  }
0x182: {  	v17 =	vld [tilespmem:s4+$0xF700]  }
0x183: {  	v18 =	vld [tilespmem:s4+$0xF680]  }
0x184: {  	v19 =	vld [tilespmem:s4+$0xB480]  }
0x185: {  	v20 =	vld [tilespmem:s4+$0xD500]  }
0x186: {  	v21 =	vld [tilespmem:s4+$0xF600]  }
0x187: {  	v22 =	vld [tilespmem:s4+$0xB400]  }
0x188: {  	v23 =	vld [tilespmem:s4+$0xD780]  }
0x189: {  	v24 =	vld [tilespmem:s4+$0x13680]  }
0x18a: {  	v25 =	vld [tilespmem:s4+$0xB680]  }
0x18b: {  	v3 =	vadd.f32 v3, v20;
	v20 =	vld [tilespmem:s4+$0x11500]  }
0x18c: {  	v18 =	vadd.f32 v18, v21;
	v21 =	vld [tilespmem:s4+$0xB700]  }
0x18d: {  	v3 =	vadd.f32 v13, v3;
	v13 =	vadd.f32 v19, v22;
	v19 =	vld [tilespmem:s4+$0x13600]  }
0x18e: {  	v15 =	vadd.f32 v15, v16;
	v16 =	vadd.f32 v17, v18;
	v17 =	vld [tilespmem:s4+$0xB600]  }
0x18f: {  	v10 =	vadd.f32 v10, v13;
	v3 =	vadd.f32 v5, v3;
	v5 =	vld [tilespmem:s4+$0x11480]  }
0x190: {  	v13 =	vadd.f32 v14, v15;
	v14 =	vld [tilespmem:s4+$0xF400];
	v11 =	vadd.f32 v11, v16  }
0x191: {  	v8 =	vadd.f32 v8, v10;
	v10 =	vld [tilespmem:s0+$0xB400];
	v3 =	vadd.f32 v4, v3  }
0x192: {  	v4 =	vadd.f32 v12, v13;
	v12 =	vld [tilespmem:s4+$0xF480];
	v7 =	vadd.f32 v7, v11  }
0x193: {  	v11 =	vld [tilespmem:s4+$0x11580];
	v8 =	vadd.f32 v17, v8;
	v3 =	vadd.f32 v23, v3  }
0x194: {  	v4 =	vadd.f32 v9, v4;
	v9 =	vld [tilespmem:s4+$0xF500];
	v5 =	vadd.f32 v5, v7  }
0x195: {  	v7 =	vadd.f32 v25, v8;
	v3 =	vadd.f32 v14, v3;
	v8 =	vld [tilespmem:s4+$0x11600]  }
0x196: {  	v4 =	vadd.f32 v6, v4;
	v6 =	vld [tilespmem:s4+$0xD400];
	v5 =	vadd.f32 v20, v5  }
0x197: {  	v7 =	vadd.f32 v21, v7;
	v3 =	vadd.f32 v12, v3;
	v12 =	vld [tilespmem:s4+$0x13700]  }
0x198: {  	v4 =	vadd.f32 v19, v4;
	v5 =	vadd.f32 v11, v5  }
0x199: {  	v7 =	vadd.f32 v10, v7;
	v3 =	vadd.f32 v9, v3  }
0x19a: {  	v4 =	vadd.f32 v24, v4;
	v5 =	vadd.f32 v8, v5  }
0x19b: {  	v6 =	vadd.f32 v6, v7;
	[tilespmem:s4+$0x15680] =	vst v3  }
0x19c: {  	[tilespmem:s4+$0x15700] =	vst v5;
	v3 =	vadd.f32 v12, v4  }
0x19d: {  	s12 =	sshll.u32 s29, $0xB;
	[tilespmem:s4+$0x15600] =	vst v6  }
0x19e: {  	s9 =	simm.s32 $0x15400;
	s4 =	sadd.s32 s12, s8;
	[tilespmem:s0+$0x15400] =	vst v3  }
0x19f: {  	[hbm4b:s4+s3] =	stream.linear.scatter [tilespmem:s9], [sflag:$0x3], $0x2000, $0x38;
	[tilespmem:$0x19400] =	vst v63  }
0x1a0: {  	v3 =	vld [tilespmem:s31+$0x78];
	_ =	sdelay $0x4  }
0x1a1: {  	v4 =	vshll.u32 v3, $0x3  }
0x1a2: {  	v3 =	vand.u32 $0x7, v3;
	v4 =	vand.u32 $0xFFFFFFC0, v4  }
0x1a3: {  	v3 =	vor.u32 v3, v4  }
0x1a4: {  	v4 =	vperm.xlane v3, v0;
	_ =	sdelay $0x1  }
0x1a5: {  	v4 =	vadd.s32 v1, v4;
	_ =	sdelay $0x3  }
0x1a6: {  	s10 =	simm.s32 $0xB400  }
0x1a7: {  	[tilespmem:s10], [sflag:$0x2] =	stream.indirect_vreg.gather [hbm4b:s2+s3], $0x80, v4, vm0, $0xb8;
	[tilespmem:$0x19400] =	vst v63  }
0x1a8: {  	s11 =	simm.s32 $0xBC00;
	v3 =	vperm.xlane v3, v2  }
0x1a9: {  	[tilespmem:s11], [sflag:$0x2] =	stream.indirect_vreg.gather [hbm4b:s5+s3], $0x80, v4, vm0, $0xb8;
	[tilespmem:$0x19400] =	vst v63  }
0x1aa: {  	s12 =	simm.s32 $0xC400;
	v3 =	vadd.s32 v1, v3  }
0x1ab: {  	[tilespmem:s12], [sflag:$0x2] =	stream.indirect_vreg.gather [hbm4b:s6+s3], $0x80, v4, vm0, $0xb8;
	[tilespmem:$0x19400] =	vst v63  }
0x1ac: {  	s1 =	simm.s32 $0xCC00  }
0x1ad: {  	[tilespmem:s1], [sflag:$0x2] =	stream.indirect_vreg.gather [hbm4b:s7+s3], $0x80, v4, vm0, $0xb8;
	[tilespmem:$0x19400] =	vst v63  }
0x1ae: {  	s4 =	simm.s32 $0xD400  }
0x1af: {  	[tilespmem:s4], [sflag:$0x2] =	stream.indirect_vreg.gather [hbm4b:s2+s3], $0x80, v3, vm0, $0xb8;
	[tilespmem:$0x19400] =	vst v63  }
0x1b0: {  	s9 =	simm.s32 $0xDC00  }
0x1b1: {  	[tilespmem:s9], [sflag:$0x2] =	stream.indirect_vreg.gather [hbm4b:s5+s3], $0x80, v3, vm0, $0xb8;
	[tilespmem:$0x19400] =	vst v63  }
0x1b2: {  	s10 =	simm.s32 $0xE400  }
0x1b3: {  	[tilespmem:s10], [sflag:$0x2] =	stream.indirect_vreg.gather [hbm4b:s6+s3], $0x80, v3, vm0, $0xb8;
	[tilespmem:$0x19400] =	vst v63  }
0x1b4: {  	_ = 	snop  }
0x1b5: {  	[tilespmem:s13], [sflag:$0x2] =	stream.indirect_vreg.gather [hbm4b:s7+s3], $0x80, v3, vm0, $0xb8;
	[tilespmem:$0x19400] =	vst v63  }
0x1b6: {  	v3 =	vld [tilespmem:s31+$0x88];
	_ =	sdelay $0x4  }
0x1b7: {  	v4 =	vshll.u32 v3, $0x3  }
0x1b8: {  	v3 =	vand.u32 $0x7, v3;
	v4 =	vand.u32 $0xFFFFFFC0, v4  }
0x1b9: {  	v3 =	vor.u32 v3, v4  }
0x1ba: {  	v4 =	vperm.xlane v3, v0;
	_ =	sdelay $0x1  }
0x1bb: {  	v4 =	vadd.s32 v1, v4;
	_ =	sdelay $0x4  }
0x1bc: {  	[tilespmem:s14], [sflag:$0x2] =	stream.indirect_vreg.gather [hbm4b:s2+s3], $0x80, v4, vm0, $0xb8;
	[tilespmem:$0x19400] =	vst v63  }
0x1bd: {  	v3 =	vperm.xlane v3, v2  }
0x1be: {  	[tilespmem:s15], [sflag:$0x2] =	stream.indirect_vreg.gather [hbm4b:s5+s3], $0x80, v4, vm0, $0xb8;
	[tilespmem:$0x19400] =	vst v63  }
0x1bf: {  	v3 =	vadd.s32 v1, v3  }
0x1c0: {  	[tilespmem:s16], [sflag:$0x2] =	stream.indirect_vreg.gather [hbm4b:s6+s3], $0x80, v4, vm0, $0xb8;
	[tilespmem:$0x19400] =	vst v63  }
0x1c1: {  	_ = 	snop  }
0x1c2: {  	[tilespmem:s17], [sflag:$0x2] =	stream.indirect_vreg.gather [hbm4b:s7+s3], $0x80, v4, vm0, $0xb8;
	[tilespmem:$0x19400] =	vst v63  }
0x1c3: {  	_ = 	snop  }
0x1c4: {  	[tilespmem:s18], [sflag:$0x2] =	stream.indirect_vreg.gather [hbm4b:s2+s3], $0x80, v3, vm0, $0xb8;
	[tilespmem:$0x19400] =	vst v63  }
0x1c5: {  	_ = 	snop  }
0x1c6: {  	[tilespmem:s19], [sflag:$0x2] =	stream.indirect_vreg.gather [hbm4b:s5+s3], $0x80, v3, vm0, $0xb8;
	[tilespmem:$0x19400] =	vst v63  }
0x1c7: {  	_ = 	snop  }
0x1c8: {  	[tilespmem:s20], [sflag:$0x2] =	stream.indirect_vreg.gather [hbm4b:s6+s3], $0x80, v3, vm0, $0xb8;
	[tilespmem:$0x19400] =	vst v63  }
0x1c9: {  	_ = 	snop  }
0x1ca: {  	[tilespmem:s21], [sflag:$0x2] =	stream.indirect_vreg.gather [hbm4b:s7+s3], $0x80, v3, vm0, $0xb8;
	[tilespmem:$0x19400] =	vst v63  }
0x1cb: {  	v3 =	vld.msk [tilespmem:s31+$0x98], $0xff;
	_ =	sdelay $0x4  }
0x1cc: {  	v4 =	vshll.u32 v3, $0x3  }
0x1cd: {  	v3 =	vand.u32 $0x7, v3;
	v4 =	vand.u32 $0xFFFFFFC0, v4  }
0x1ce: {  	v3 =	vor.u32 v3, v4  }
0x1cf: {  	v3 =	vperm.xlane v3, v0;
	_ =	sdelay $0x1  }
0x1d0: {  	v3 =	vadd.s32 v1, v3;
	_ =	sdelay $0x4  }
0x1d1: {  	[tilespmem:s22], [sflag:$0x2] =	stream.indirect_vreg.gather [hbm4b:s2+s3], $0x80, v3, vm0, $0xb8;
	[tilespmem:$0x19400] =	vst v63  }
0x1d2: {  	_ = 	snop  }
0x1d3: {  	[tilespmem:s23], [sflag:$0x2] =	stream.indirect_vreg.gather [hbm4b:s5+s3], $0x80, v3, vm0, $0xb8;
	[tilespmem:$0x19400] =	vst v63  }
0x1d4: {  	_ = 	snop  }
0x1d5: {  	[tilespmem:s24], [sflag:$0x2] =	stream.indirect_vreg.gather [hbm4b:s6+s3], $0x80, v3, vm0, $0xb8;
	[tilespmem:$0x19400] =	vst v63  }
0x1d6: {  	s0 =	simm.s32 @!p0 $0x4  }
0x1d7: {  	[tilespmem:s25], [sflag:$0x2] =	stream.indirect_vreg.gather [hbm4b:s7+s3], $0x80, v3, vm0, $0xb8;
	[tilespmem:$0x19400] =	vst v63  }
0x1d8: {  	_ =	swait.ge @!p0 [sflag:s0], $0x2000  }
0x1d9: {  	[sflag:s0] =	ssyncset.done @!p0 $0x0  }
0x1da: {  	[sflag:s0] =	ssyncadd.s32 @!p0 $0xFFFFE000  }
0x1db: {  	s0 =	simm.s32 $0x0;
	_ =	swait.ge [sflag:s26], $0xA000  }
0x1dc: {  	s11 =	sand.u32 $0x70, s0;
	s12 =	sand.u32 $0x1C00, s0;
	[sflag:s26] =	ssyncset.done $0x0  }
0x1dd: {  	s1 =	sor.u32 s11, s12;
	[sflag:s26] =	ssyncadd.s32 $0xFFFF6000  }
0x1de: {  	v3 =	vld [tilespmem:s1+$0x5500]  }
0x1df: {  	v4 =	vld [tilespmem:s1+$0x7600]  }
0x1e0: {  	v6 =	vld [tilespmem:s1+$0x5480]  }
0x1e1: {  	v5 =	vld [tilespmem:s1+$0x7580]  }
0x1e2: {  	v8 =	vld [tilespmem:s1+$0x5400]  }
0x1e3: {  	v7 =	vld [tilespmem:s1+$0x7500]  }
0x1e4: {  	v10 =	vld [tilespmem:s1+$0x3780]  }
0x1e5: {  	v9 =	vld [tilespmem:s1+$0x7480]  }
0x1e6: {  	v12 =	vld [tilespmem:s1+$0x3700]  }
0x1e7: {  	v11 =	vld [tilespmem:s1+$0x7400]  }
0x1e8: {  	v13 =	vld [tilespmem:s1+$0x3680]  }
0x1e9: {  	v14 =	vld [tilespmem:s1+$0x3600]  }
0x1ea: {  	v15 =	vld [tilespmem:s1+$0x3500]  }
0x1eb: {  	v17 =	vld [tilespmem:s1+$0x3580]  }
0x1ec: {  	v19 =	vld [tilespmem:s1+$0x5600]  }
0x1ed: {  	v20 =	vld [tilespmem:s1+$0x5680]  }
0x1ee: {  	v21 =	vld [tilespmem:s1+$0x7700]  }
0x1ef: {  	v22 =	vld [tilespmem:s1+$0x7780]  }
0x1f0: {  	v18 =	vld [tilespmem:s1+$0x5700]  }
0x1f1: {  	v16 =	vld [tilespmem:s1+$0x9400]  }
0x1f2: {  	v23 =	vadd.f32 v17, v15;
	v17 =	vld [tilespmem:s1+$0x5780]  }
0x1f3: {  	v19 =	vadd.f32 v20, v19;
	v15 =	vld [tilespmem:s1+$0x9480]  }
0x1f4: {  	s4 =	simm.s32 $0x0;
	s9 =	simm.s32 $0x0;
	s10 =	simm.s32 $0x10;
	v21 =	vadd.f32 v22, v21;
	v20 =	vadd.f32 v14, v23;
	v14 =	vld [tilespmem:s1+$0x9500]  }
.LBB2_7:
0x1f5: {  	p0 =	sne.s32 s10, $0x3F0;
	v22 =	vld [tilespmem:s1+$0x1400];
	v18 =	vadd.f32 v18, v19  }
0x1f6: {  	v19 =	vld [tilespmem:s1+$0x1480];
	v13 =	vadd.f32 v13, v20;
	v16 =	vadd.f32 v16, v21  }
0x1f7: {  	v17 =	vadd.f32 v17, v18;
	v18 =	vld [tilespmem:s1+$0x9580]  }
0x1f8: {  	v20 =	vld [tilespmem:s1+$0x1500];
	v12 =	vadd.f32 v12, v13;
	v13 =	vadd.f32 v15, v16  }
0x1f9: {  	v11 =	vadd.f32 v11, v17;
	v15 =	vld [tilespmem:s1+$0x9600]  }
0x1fa: {  	v16 =	vld [tilespmem:s1+$0x1580];
	v10 =	vadd.f32 v10, v12;
	v12 =	vadd.f32 v14, v13  }
0x1fb: {  	v13 =	vadd.f32 v19, v22;
	v9 =	vadd.f32 v9, v11;
	v11 =	vld [tilespmem:s1+$0x9680]  }
0x1fc: {  	v14 =	vld [tilespmem:s1+$0x1600];
	v8 =	vadd.f32 v8, v10;
	v10 =	vadd.f32 v18, v12  }
0x1fd: {  	v12 =	vadd.f32 v20, v13;
	v7 =	vadd.f32 v7, v9;
	v9 =	vld [tilespmem:s1+$0x9700]  }
0x1fe: {  	s0 =	sadd.s32 $0x80, s0;
	v13 =	vld [tilespmem:s1+$0x1680];
	v6 =	vadd.f32 v6, v8;
	v8 =	vadd.f32 v15, v10  }
0x1ff: {  	s11 =	sand.u32 $0x70, s10;
	s12 =	sand.u32 $0x1C00, s0;
	v10 =	vadd.f32 v16, v12;
	v12 =	vld [tilespmem:s1+$0x3400];
	v5 =	vadd.f32 v5, v7  }
0x200: {  	s9 =	sor.u32 s4, s9;
	s4 =	smov.u32 s0;
	s11 =	sor.u32 s11, s12;
	v7 =	vld [tilespmem:s1+$0x1700];
	v6 =	vadd.f32 v3, v6;
	v8 =	vadd.f32 v11, v8  }
0x201: {  	s12 =	sor.u32 $0x380, s9;
	s9 =	smov.u32 s10;
	v3 =	vld [tilespmem:s11+$0x5500];
	v10 =	vadd.f32 v14, v10;
	v5 =	vadd.f32 v4, v5  }
0x202: {  	v11 =	vld [tilespmem:s12+$0x1400];
	[tilespmem:s1+$0x17480] =	vst v6;
	v8 =	vadd.f32 v9, v8  }
0x203: {  	v4 =	vld [tilespmem:s11+$0x7600];
	v9 =	vadd.f32 v13, v10;
	[tilespmem:s1+$0x17500] =	vst v5  }
0x204: {  	v6 =	vld [tilespmem:s11+$0x5480];
	[tilespmem:s1+$0x17580] =	vst v8  }
0x205: {  	v5 =	vld [tilespmem:s11+$0x7580];
	v9 =	vadd.f32 v7, v9  }
0x206: {  	v8 =	vld [tilespmem:s11+$0x5400]  }
0x207: {  	v7 =	vld [tilespmem:s11+$0x7500];
	v11 =	vadd.f32 v11, v9  }
0x208: {  	v10 =	vld [tilespmem:s11+$0x3780]  }
0x209: {  	v9 =	vld [tilespmem:s11+$0x7480];
	v13 =	vadd.f32 v12, v11  }
0x20a: {  	v12 =	vld [tilespmem:s11+$0x3700]  }
0x20b: {  	v11 =	vld [tilespmem:s11+$0x7400];
	[tilespmem:s1+$0x17400] =	vst v13;
	s1 =	smov.u32 s11  }
0x20c: {  	v13 =	vld [tilespmem:s1+$0x3680]  }
0x20d: {  	v14 =	vld [tilespmem:s1+$0x3600]  }
0x20e: {  	v15 =	vld [tilespmem:s1+$0x3500]  }
0x20f: {  	v17 =	vld [tilespmem:s1+$0x3580]  }
0x210: {  	v19 =	vld [tilespmem:s1+$0x5600]  }
0x211: {  	v20 =	vld [tilespmem:s1+$0x5680]  }
0x212: {  	v21 =	vld [tilespmem:s1+$0x7700]  }
0x213: {  	v22 =	vld [tilespmem:s1+$0x7780]  }
.Ltmp2:
0x214: {  	v18 =	vld [tilespmem:s1+$0x5700];
	(pc) =	sbr.rel @p0 .LBB2_7-.Ltmp2, $4  }
0x215: {  	v16 =	vld [tilespmem:s1+$0x9400]  }
0x216: {  	v23 =	vadd.f32 v17, v15;
	v17 =	vld [tilespmem:s1+$0x5780]  }
0x217: {  	v19 =	vadd.f32 v20, v19;
	v15 =	vld [tilespmem:s1+$0x9480]  }
0x218: {  	s10 =	sadd.s32 $0x10, s10;
	v20 =	vadd.f32 v14, v23;
	v21 =	vadd.f32 v22, v21;
	v14 =	vld [tilespmem:s1+$0x9500]  }
0x219: {  	v22 =	vld [tilespmem:s1+$0x1400]  }
0x21a: {  	v23 =	vld [tilespmem:s1+$0x1480];
	_ =	sdelay $0x1  }
0x21b: {  	v24 =	vld [tilespmem:s1+$0x1500];
	_ =	sdelay $0x1  }
0x21c: {  	v25 =	vld [tilespmem:s1+$0x1580]  }
0x21d: {  	v18 =	vadd.f32 v18, v19;
	v44 =	vadd.f32 v23, v22  }
0x21e: {  	v45 =	vld [tilespmem:s1+$0x1600];
	v13 =	vadd.f32 v13, v20;
	v16 =	vadd.f32 v16, v21  }
0x21f: {  	v46 =	vld [tilespmem:s1+$0x9580];
	v17 =	vadd.f32 v17, v18;
	v19 =	vadd.f32 v24, v44  }
0x220: {  	v48 =	vld [tilespmem:s1+$0x1680];
	v12 =	vadd.f32 v12, v13;
	v47 =	vadd.f32 v15, v16  }
0x221: {  	v49 =	vld [tilespmem:s1+$0x9600];
	v11 =	vadd.f32 v11, v17;
	v50 =	vadd.f32 v25, v19  }
0x222: {  	v52 =	vld [tilespmem:s1+$0x1700];
	s0 =	sor.u32 s4, s9;
	v10 =	vadd.f32 v10, v12;
	v51 =	vadd.f32 v14, v47  }
0x223: {  	v53 =	vld [tilespmem:s1+$0x9680];
	s0 =	sor.u32 $0x380, s0;
	v9 =	vadd.f32 v9, v11;
	v54 =	vadd.f32 v45, v50  }
0x224: {  	v56 =	vld [tilespmem:s0+$0x1400];
	v8 =	vadd.f32 v8, v10;
	v55 =	vadd.f32 v46, v51  }
0x225: {  	v57 =	vld [tilespmem:s1+$0x9700];
	v7 =	vadd.f32 v7, v9;
	v14 =	vadd.f32 v48, v54  }
0x226: {  	v59 =	vld [tilespmem:s1+$0x3400];
	v6 =	vadd.f32 v6, v8;
	v58 =	vadd.f32 v49, v55  }
0x227: {  	v5 =	vadd.f32 v5, v7;
	v60 =	vadd.f32 v52, v14  }
0x228: {  	p0 =	seq.s32 s29, $0x1F;
	v3 =	vadd.f32 v3, v6;
	v61 =	vadd.f32 v53, v58  }
.Ltmp3:
0x229: {  	v4 =	vadd.f32 v4, v5;
	v62 =	vadd.f32 v56, v60;
	(pc) =	sbr.rel @p0 .LBB2_10-.Ltmp3, $4  }
0x22a: {  	[tilespmem:s1+$0x17480] =	vst v3;
	v3 =	vadd.f32 v57, v61  }
0x22b: {  	[tilespmem:s1+$0x17500] =	vst v4;
	v63 =	vadd.f32 v59, v62  }
0x22c: {  	[tilespmem:s1+$0x17580] =	vst v3  }
0x22d: {  	[tilespmem:s1+$0x17400] =	vst v63  }
0x22e: {  	v3 =	vld [tilespmem:s31+$0xA0];
	_ =	sdelay $0x4  }
0x22f: {  	v4 =	vshll.u32 v3, $0x3  }
0x230: {  	v3 =	vand.u32 $0x7, v3;
	v4 =	vand.u32 $0xFFFFFFC0, v4  }
0x231: {  	v3 =	vor.u32 v3, v4  }
0x232: {  	v4 =	vperm.xlane v3, v0;
	_ =	sdelay $0x1  }
0x233: {  	v4 =	vadd.s32 v1, v4;
	_ =	sdelay $0x3  }
0x234: {  	s0 =	simm.s32 $0x1400  }
0x235: {  	[tilespmem:s0], [sflag:$0x1] =	stream.indirect_vreg.gather [hbm4b:s2+s3], $0x80, v4, vm0, $0xb8;
	[tilespmem:$0x19400] =	vst v63  }
0x236: {  	s1 =	simm.s32 $0x1C00;
	v3 =	vperm.xlane v3, v2  }
0x237: {  	[tilespmem:s1], [sflag:$0x1] =	stream.indirect_vreg.gather [hbm4b:s5+s3], $0x80, v4, vm0, $0xb8;
	[tilespmem:$0x19400] =	vst v63  }
0x238: {  	s4 =	simm.s32 $0x2400;
	v3 =	vadd.s32 v1, v3  }
0x239: {  	[tilespmem:s4], [sflag:$0x1] =	stream.indirect_vreg.gather [hbm4b:s6+s3], $0x80, v4, vm0, $0xb8;
	[tilespmem:$0x19400] =	vst v63  }
0x23a: {  	s9 =	simm.s32 $0x2C00  }
0x23b: {  	[tilespmem:s9], [sflag:$0x1] =	stream.indirect_vreg.gather [hbm4b:s7+s3], $0x80, v4, vm0, $0xb8;
	[tilespmem:$0x19400] =	vst v63  }
0x23c: {  	s10 =	simm.s32 $0x3400  }
0x23d: {  	[tilespmem:s10], [sflag:$0x1] =	stream.indirect_vreg.gather [hbm4b:s2+s3], $0x80, v3, vm0, $0xb8;
	[tilespmem:$0x19400] =	vst v63  }
0x23e: {  	s11 =	simm.s32 $0x3C00  }
0x23f: {  	[tilespmem:s11], [sflag:$0x1] =	stream.indirect_vreg.gather [hbm4b:s5+s3], $0x80, v3, vm0, $0xb8;
	[tilespmem:$0x19400] =	vst v63  }
0x240: {  	s12 =	simm.s32 $0x4400  }
0x241: {  	[tilespmem:s12], [sflag:$0x1] =	stream.indirect_vreg.gather [hbm4b:s6+s3], $0x80, v3, vm0, $0xb8;
	[tilespmem:$0x19400] =	vst v63  }
0x242: {  	s1 =	simm.s32 $0x4C00  }
0x243: {  	[tilespmem:s1], [sflag:$0x1] =	stream.indirect_vreg.gather [hbm4b:s7+s3], $0x80, v3, vm0, $0xb8;
	[tilespmem:$0x19400] =	vst v63  }
0x244: {  	v3 =	vld [tilespmem:s31+$0xB0];
	_ =	sdelay $0x4  }
0x245: {  	v62 =	vshll.u32 v3, $0x3  }
0x246: {  	v3 =	vand.u32 $0x7, v3;
	v4 =	vand.u32 $0xFFFFFFC0, v62  }
0x247: {  	v3 =	vor.u32 v3, v4  }
0x248: {  	v4 =	vperm.xlane v3, v0;
	_ =	sdelay $0x1  }
0x249: {  	v4 =	vadd.s32 v1, v4;
	_ =	sdelay $0x3  }
0x24a: {  	s4 =	simm.s32 $0x5400  }
0x24b: {  	[tilespmem:s4], [sflag:$0x1] =	stream.indirect_vreg.gather [hbm4b:s2+s3], $0x80, v4, vm0, $0xb8;
	[tilespmem:$0x19400] =	vst v63  }
0x24c: {  	s9 =	simm.s32 $0x5C00;
	v3 =	vperm.xlane v3, v2  }
0x24d: {  	[tilespmem:s9], [sflag:$0x1] =	stream.indirect_vreg.gather [hbm4b:s5+s3], $0x80, v4, vm0, $0xb8;
	[tilespmem:$0x19400] =	vst v63  }
0x24e: {  	s10 =	simm.s32 $0x6400;
	v3 =	vadd.s32 v1, v3  }
0x24f: {  	[tilespmem:s10], [sflag:$0x1] =	stream.indirect_vreg.gather [hbm4b:s6+s3], $0x80, v4, vm0, $0xb8;
	[tilespmem:$0x19400] =	vst v63  }
0x250: {  	s11 =	simm.s32 $0x6C00  }
0x251: {  	[tilespmem:s11], [sflag:$0x1] =	stream.indirect_vreg.gather [hbm4b:s7+s3], $0x80, v4, vm0, $0xb8;
	[tilespmem:$0x19400] =	vst v63  }
0x252: {  	s12 =	simm.s32 $0x7400  }
0x253: {  	[tilespmem:s12], [sflag:$0x1] =	stream.indirect_vreg.gather [hbm4b:s2+s3], $0x80, v3, vm0, $0xb8;
	[tilespmem:$0x19400] =	vst v63  }
0x254: {  	s1 =	simm.s32 $0x7C00  }
0x255: {  	[tilespmem:s1], [sflag:$0x1] =	stream.indirect_vreg.gather [hbm4b:s5+s3], $0x80, v3, vm0, $0xb8;
	[tilespmem:$0x19400] =	vst v63  }
0x256: {  	s4 =	simm.s32 $0x8400  }
0x257: {  	[tilespmem:s4], [sflag:$0x1] =	stream.indirect_vreg.gather [hbm4b:s6+s3], $0x80, v3, vm0, $0xb8;
	[tilespmem:$0x19400] =	vst v63  }
0x258: {  	s9 =	simm.s32 $0x8C00  }
0x259: {  	[tilespmem:s9], [sflag:$0x1] =	stream.indirect_vreg.gather [hbm4b:s7+s3], $0x80, v3, vm0, $0xb8;
	[tilespmem:$0x19400] =	vst v63  }
0x25a: {  	v3 =	vld.msk [tilespmem:s31+$0xC0], $0xff;
	_ =	sdelay $0x4  }
0x25b: {  	v63 =	vshll.u32 v3, $0x3  }
0x25c: {  	v3 =	vand.u32 $0x7, v3;
	v4 =	vand.u32 $0xFFFFFFC0, v63  }
0x25d: {  	v3 =	vor.u32 v3, v4  }
0x25e: {  	v3 =	vperm.xlane v3, v0;
	_ =	sdelay $0x1  }
0x25f: {  	v3 =	vadd.s32 v1, v3;
	_ =	sdelay $0x3  }
0x260: {  	s10 =	simm.s32 $0x9400  }
0x261: {  	[tilespmem:s10], [sflag:$0x1] =	stream.indirect_vreg.gather [hbm4b:s2+s3], $0x80, v3, vm0, $0xb8;
	[tilespmem:$0x19400] =	vst v63  }
0x262: {  	s11 =	simm.s32 $0x9C00  }
0x263: {  	[tilespmem:s11], [sflag:$0x1] =	stream.indirect_vreg.gather [hbm4b:s5+s3], $0x80, v3, vm0, $0xb8;
	[tilespmem:$0x19400] =	vst v63  }
0x264: {  	s12 =	simm.s32 $0xA400  }
0x265: {  	[tilespmem:s12], [sflag:$0x1] =	stream.indirect_vreg.gather [hbm4b:s6+s3], $0x80, v3, vm0, $0xb8;
	[tilespmem:$0x19400] =	vst v63  }
0x266: {  	s31 =	simm.s32 $0xAC00  }
0x267: {  	[tilespmem:s31], [sflag:$0x1] =	stream.indirect_vreg.gather [hbm4b:s7+s3], $0x80, v3, vm0, $0xb8;
	[tilespmem:$0x19400] =	vst v63  }
.LBB2_10:
0x268: {  	_ =	swait.ge [sflag:s28], $0xA000;
	s0 =	simm.s32 $0x0  }
0x269: {  	[sflag:s28] =	ssyncset.done $0x0;
	s1 =	sand.u32 $0x70, s0;
	s4 =	sand.u32 $0x1C00, s0  }
0x26a: {  	[sflag:s28] =	ssyncadd.s32 $0xFFFF6000;
	s1 =	sor.u32 s1, s4  }
0x26b: {  	v3 =	vld [tilespmem:s1+$0xD580]  }
0x26c: {  	v6 =	vld [tilespmem:s1+$0xD700]  }
0x26d: {  	v5 =	vld [tilespmem:s1+$0xD680]  }
0x26e: {  	v7 =	vld [tilespmem:s1+$0x13580]  }
0x26f: {  	v8 =	vld [tilespmem:s1+$0x11400]  }
0x270: {  	v9 =	vld [tilespmem:s1+$0xB580]  }
0x271: {  	v10 =	vld [tilespmem:s1+$0x13500]  }
0x272: {  	v11 =	vld [tilespmem:s1+$0xB500]  }
0x273: {  	v12 =	vld [tilespmem:s1+$0xF780]  }
0x274: {  	v4 =	vld [tilespmem:s1+$0x13480]  }
0x275: {  	v13 =	vld [tilespmem:s1+$0xD600]  }
0x276: {  	v14 =	vld [tilespmem:s1+$0x13400]  }
0x277: {  	v15 =	vld [tilespmem:s1+$0x11780]  }
0x278: {  	v16 =	vld [tilespmem:s1+$0x11700]  }
0x279: {  	v17 =	vld [tilespmem:s1+$0xF700]  }
0x27a: {  	v18 =	vld [tilespmem:s1+$0xF680]  }
0x27b: {  	v19 =	vld [tilespmem:s1+$0xB480]  }
0x27c: {  	v20 =	vld [tilespmem:s1+$0xD500]  }
0x27d: {  	v21 =	vld [tilespmem:s1+$0xF600]  }
0x27e: {  	v22 =	vld [tilespmem:s1+$0xB400]  }
0x27f: {  	v60 =	vld [tilespmem:s1+$0xD780];
	v15 =	vadd.f32 v15, v16  }
0x280: {  	v23 =	vld [tilespmem:s1+$0x13680]  }
0x281: {  	v61 =	vld [tilespmem:s1+$0x13600];
	v14 =	vadd.f32 v14, v15  }
0x282: {  	v62 =	vld [tilespmem:s1+$0x11480];
	v20 =	vadd.f32 v3, v20  }
0x283: {  	v63 =	vld [tilespmem:s1+$0xF400];
	v18 =	vadd.f32 v18, v21;
	v14 =	vadd.f32 v4, v14  }
0x284: {  	v3 =	vld [tilespmem:s1+$0x11500];
	v19 =	vadd.f32 v19, v22;
	v13 =	vadd.f32 v13, v20  }
0x285: {  	v17 =	vadd.f32 v17, v18;
	v10 =	vadd.f32 v10, v14;
	v14 =	vld [tilespmem:s1+$0xB600]  }
0x286: {  	s0 =	sor.u32 s0, s0;
	v15 =	vld [tilespmem:s1+$0xB680];
	v11 =	vadd.f32 v11, v19;
	v13 =	vadd.f32 v5, v13  }
0x287: {  	s4 =	sor.u32 $0x380, s0;
	v4 =	vld [tilespmem:s1+$0xB700];
	v12 =	vadd.f32 v12, v17;
	v7 =	vadd.f32 v7, v10  }
0x288: {  	v9 =	vadd.f32 v9, v11;
	v5 =	vld [tilespmem:s4+$0xB400];
	v10 =	vadd.f32 v6, v13  }
0x289: {  	v11 =	vadd.f32 v8, v12;
	v8 =	vld [tilespmem:s1+$0x11580];
	v7 =	vadd.f32 v61, v7  }
0x28a: {  	s12 =	simm.s32 $0x10;
	s9 =	simm.s32 $0x80;
	v6 =	vld [tilespmem:s1+$0xF480];
	v10 =	vadd.f32 v60, v10;
	v12 =	vadd.f32 v14, v9  }
0x28b: {  	s11 =	sor.u32 s9, s12;
	s0 =	sand.u32 $0x70, s12;
	s12 =	sand.u32 $0x1C00, s9;
	v11 =	vadd.f32 v62, v11;
	v9 =	vld [tilespmem:s1+$0xF500];
	v7 =	vadd.f32 v23, v7  }
0x28c: {  	s10 =	simm.s32 $0x20;
	s31 =	sor.u32 $0x380, s11;
	s0 =	sor.u32 s0, s12;
	v13 =	vadd.f32 v63, v10;
	v10 =	vld [tilespmem:s1+$0x11600];
	v12 =	vadd.f32 v15, v12  }
.LBB2_11:
0x28d: {  	p0 =	sne.s32 s10, $0x3F0  }
0x28e: {  	s9 =	sadd.s32 $0x80, s9;
	v14 =	vld [tilespmem:s1+$0xD400];
	v3 =	vadd.f32 v3, v11;
	s11 =	smov.u32 s10;
	s10 =	sadd.s32 $0x10, s10  }
0x28f: {  	v4 =	vadd.f32 v4, v12;
	v6 =	vadd.f32 v6, v13;
	v11 =	vld [tilespmem:s1+$0x13700]  }
0x290: {  	v3 =	vadd.f32 v8, v3  }
0x291: {  	v4 =	vadd.f32 v5, v4;
	v5 =	vadd.f32 v9, v6  }
0x292: {  	v3 =	vadd.f32 v10, v3  }
0x293: {  	v4 =	vadd.f32 v14, v4;
	[tilespmem:s1+$0x17680] =	vst v5  }
0x294: {  	[tilespmem:s1+$0x17700] =	vst v3;
	v3 =	vadd.f32 v11, v7  }
0x295: {  	[tilespmem:s1+$0x17600] =	vst v4;
	s1 =	smov.u32 s0  }
0x296: {  	[tilespmem:s4+$0x17400] =	vst v3;
	s4 =	smov.u32 s31  }
0x297: {  	v3 =	vld [tilespmem:s1+$0xD580]  }
0x298: {  	v6 =	vld [tilespmem:s1+$0xD700]  }
0x299: {  	v5 =	vld [tilespmem:s1+$0xD680]  }
0x29a: {  	v7 =	vld [tilespmem:s1+$0x13580]  }
0x29b: {  	v8 =	vld [tilespmem:s1+$0x11400]  }
0x29c: {  	v9 =	vld [tilespmem:s1+$0xB580]  }
0x29d: {  	v10 =	vld [tilespmem:s1+$0x13500]  }
0x29e: {  	v11 =	vld [tilespmem:s1+$0xB500]  }
0x29f: {  	v12 =	vld [tilespmem:s1+$0xF780]  }
0x2a0: {  	s0 =	sor.u32 s9, s11;
	v4 =	vld [tilespmem:s1+$0x13480]  }
0x2a1: {  	s12 =	sand.u32 $0x1C00, s9;
	s11 =	sand.u32 $0x70, s11;
	s31 =	sor.u32 $0x380, s0;
	v13 =	vld [tilespmem:s1+$0xD600]  }
0x2a2: {  	s0 =	sor.u32 s11, s12;
	v14 =	vld [tilespmem:s1+$0x13400]  }
0x2a3: {  	v15 =	vld [tilespmem:s1+$0x11780]  }
0x2a4: {  	v16 =	vld [tilespmem:s1+$0x11700]  }
0x2a5: {  	v17 =	vld [tilespmem:s1+$0xF700]  }
0x2a6: {  	v18 =	vld [tilespmem:s1+$0xF680]  }
0x2a7: {  	v19 =	vld [tilespmem:s1+$0xB480]  }
0x2a8: {  	v20 =	vld [tilespmem:s1+$0xD500]  }
0x2a9: {  	v21 =	vld [tilespmem:s1+$0xF600];
	v15 =	vadd.f32 v15, v16  }
0x2aa: {  	v16 =	vld [tilespmem:s1+$0xB400]  }
0x2ab: {  	v22 =	vld [tilespmem:s1+$0xD780];
	v14 =	vadd.f32 v14, v15  }
0x2ac: {  	v15 =	vld [tilespmem:s1+$0x13680]  }
0x2ad: {  	v23 =	vld [tilespmem:s1+$0xB680];
	v20 =	vadd.f32 v3, v20  }
0x2ae: {  	v14 =	vadd.f32 v4, v14;
	v3 =	vld [tilespmem:s1+$0x11500]  }
0x2af: {  	v18 =	vadd.f32 v18, v21;
	v4 =	vld [tilespmem:s1+$0xB700];
	v13 =	vadd.f32 v13, v20  }
0x2b0: {  	v16 =	vadd.f32 v19, v16;
	v10 =	vadd.f32 v10, v14;
	v14 =	vld [tilespmem:s1+$0x13600]  }
0x2b1: {  	v17 =	vadd.f32 v17, v18;
	v19 =	vld [tilespmem:s1+$0xB600]  }
0x2b2: {  	v11 =	vadd.f32 v11, v16;
	v13 =	vadd.f32 v5, v13;
	v16 =	vld [tilespmem:s1+$0x11480]  }
0x2b3: {  	v7 =	vadd.f32 v7, v10;
	v12 =	vadd.f32 v12, v17;
	v18 =	vld [tilespmem:s1+$0xF400]  }
.Ltmp4:
0x2b4: {  	v9 =	vadd.f32 v9, v11;
	v10 =	vadd.f32 v6, v13;
	v5 =	vld [tilespmem:s4+$0xB400];
	(pc) =	sbr.rel @p0 .LBB2_11-.Ltmp4, $4  }
0x2b5: {  	v11 =	vadd.f32 v8, v12;
	v6 =	vld [tilespmem:s1+$0xF480];
	v7 =	vadd.f32 v14, v7  }
0x2b6: {  	v10 =	vadd.f32 v22, v10;
	v12 =	vadd.f32 v19, v9;
	v8 =	vld [tilespmem:s1+$0x11580]  }
0x2b7: {  	v9 =	vld [tilespmem:s1+$0xF500];
	v11 =	vadd.f32 v16, v11;
	v7 =	vadd.f32 v15, v7  }
0x2b8: {  	v12 =	vadd.f32 v23, v12;
	v13 =	vadd.f32 v18, v10;
	v10 =	vld [tilespmem:s1+$0x11600]  }
0x2b9: {  	v14 =	vld [tilespmem:s1+$0xD400];
	v3 =	vadd.f32 v3, v11  }
0x2ba: {  	v35 =	vld [tilespmem:s1+$0x13700];
	v4 =	vadd.f32 v4, v12;
	v6 =	vadd.f32 v6, v13  }
0x2bb: {  	v3 =	vadd.f32 v8, v3  }
0x2bc: {  	v4 =	vadd.f32 v5, v4;
	v36 =	vadd.f32 v9, v6  }
0x2bd: {  	v3 =	vadd.f32 v10, v3  }
0x2be: {  	v4 =	vadd.f32 v14, v4;
	[tilespmem:s1+$0x17680] =	vst v36  }
0x2bf: {  	[tilespmem:s1+$0x17700] =	vst v3;
	v3 =	vadd.f32 v35, v7  }
0x2c0: {  	[tilespmem:s1+$0x17600] =	vst v4  }
0x2c1: {  	[tilespmem:s4+$0x17400] =	vst v3  }
0x2c2: {  	v3 =	vld [tilespmem:s0+$0xD580]  }
0x2c3: {  	v4 =	vld [tilespmem:s0+$0xD700]  }
0x2c4: {  	v5 =	vld [tilespmem:s0+$0xD680]  }
0x2c5: {  	v37 =	vld [tilespmem:s0+$0x13580]  }
0x2c6: {  	v38 =	vld [tilespmem:s0+$0x11400]  }
0x2c7: {  	v39 =	vld [tilespmem:s0+$0xB580]  }
0x2c8: {  	v40 =	vld [tilespmem:s0+$0x13500]  }
0x2c9: {  	v41 =	vld [tilespmem:s0+$0xB500]  }
0x2ca: {  	v42 =	vld [tilespmem:s0+$0xF780]  }
0x2cb: {  	v43 =	vld [tilespmem:s0+$0x13480]  }
0x2cc: {  	v44 =	vld [tilespmem:s0+$0xD600]  }
0x2cd: {  	v45 =	vld [tilespmem:s0+$0x13400]  }
0x2ce: {  	v15 =	vld [tilespmem:s0+$0x11780]  }
0x2cf: {  	v16 =	vld [tilespmem:s0+$0x11700]  }
0x2d0: {  	v17 =	vld [tilespmem:s0+$0xF700]  }
0x2d1: {  	v18 =	vld [tilespmem:s0+$0xF680]  }
0x2d2: {  	v19 =	vld [tilespmem:s0+$0xB480]  }
0x2d3: {  	v20 =	vld [tilespmem:s0+$0xD500]  }
0x2d4: {  	v21 =	vld [tilespmem:s0+$0xF600]  }
0x2d5: {  	v22 =	vld [tilespmem:s0+$0xB400]  }
0x2d6: {  	v23 =	vld [tilespmem:s0+$0xD780]  }
0x2d7: {  	v24 =	vld [tilespmem:s0+$0x13680]  }
0x2d8: {  	v25 =	vld [tilespmem:s0+$0xB680]  }
0x2d9: {  	v46 =	vld [tilespmem:s0+$0x11500];
	v3 =	vadd.f32 v3, v20  }
0x2da: {  	v47 =	vld [tilespmem:s0+$0xB700];
	v18 =	vadd.f32 v18, v21  }
0x2db: {  	v49 =	vld [tilespmem:s0+$0x13600];
	v48 =	vadd.f32 v19, v22;
	v3 =	vadd.f32 v44, v3  }
0x2dc: {  	v51 =	vld [tilespmem:s0+$0xB600];
	v15 =	vadd.f32 v15, v16;
	v50 =	vadd.f32 v17, v18  }
0x2dd: {  	v52 =	vld [tilespmem:s0+$0x11480];
	v10 =	vadd.f32 v41, v48;
	v3 =	vadd.f32 v5, v3  }
0x2de: {  	v54 =	vld [tilespmem:s0+$0xF400];
	v53 =	vadd.f32 v45, v15;
	v11 =	vadd.f32 v42, v50  }
0x2df: {  	v55 =	vld [tilespmem:s31+$0xB400];
	v8 =	vadd.f32 v39, v10;
	v3 =	vadd.f32 v4, v3  }
0x2e0: {  	v57 =	vld [tilespmem:s0+$0xF480];
	v56 =	vadd.f32 v43, v53;
	v7 =	vadd.f32 v38, v11  }
0x2e1: {  	v58 =	vld [tilespmem:s0+$0x11580];
	v8 =	vadd.f32 v51, v8;
	v3 =	vadd.f32 v23, v3  }
0x2e2: {  	v59 =	vld [tilespmem:s0+$0xF500];
	v4 =	vadd.f32 v40, v56;
	v5 =	vadd.f32 v52, v7  }
0x2e3: {  	v61 =	vld [tilespmem:s0+$0x11600];
	v60 =	vadd.f32 v25, v8;
	v3 =	vadd.f32 v54, v3  }
0x2e4: {  	v62 =	vld [tilespmem:s0+$0xD400];
	v4 =	vadd.f32 v37, v4;
	v5 =	vadd.f32 v46, v5  }
0x2e5: {  	v63 =	vld [tilespmem:s0+$0x13700];
	v7 =	vadd.f32 v47, v60;
	v3 =	vadd.f32 v57, v3  }
0x2e6: {  	v4 =	vadd.f32 v49, v4;
	v5 =	vadd.f32 v58, v5  }
0x2e7: {  	s29 =	sadd.s32 $0x1, s29;
	v7 =	vadd.f32 v55, v7;
	v3 =	vadd.f32 v59, v3  }
0x2e8: {  	p0 =	sne.s32 s29, $0x20;
	v4 =	vadd.f32 v24, v4;
	v5 =	vadd.f32 v61, v5  }
.Ltmp5:
0x2e9: {  	v6 =	vadd.f32 v62, v7;
	[tilespmem:s0+$0x17680] =	vst v3;
	(pc) =	sbr.rel @p0 .LBB2_2-.Ltmp5, $4  }
0x2ea: {  	[tilespmem:s0+$0x17700] =	vst v5;
	v3 =	vadd.f32 v63, v4  }
0x2eb: {  	s30 =	sshll.u32 s30, $0x9;
	[tilespmem:s0+$0x17600] =	vst v6  }
0x2ec: {  	s0 =	sadd.s32 s30, s8;
	[tilespmem:s31+$0x17400] =	vst v3;
	s31 =	simm.s32 $0x17400  }
0x2ed: {  	[hbm4b:s0+s3] =	stream.linear.scatter [tilespmem:s31], [sflag:$0x4], $0x2000, $0x38;
	[tilespmem:$0x19400] =	vst v63  }
0x2ee: {  	s0 =	simm.s32 $0x3  }
0x2ef: {  	_ =	swait.ge [sflag:s0], $0x2000  }
0x2f0: {  	[sflag:s0] =	ssyncset.done $0x0  }
0x2f1: {  	s1 =	simm.s32 $0x4;
	[sflag:s0] =	ssyncadd.s32 $0xFFFFE000  }
0x2f2: {  	_ =	swait.ge [sflag:s1], $0x2000  }
0x2f3: {  	s4 =	rddreg [dreg:$0x6]  }
0x2f4: {  	s31 =	rddreg [dreg:$0x5];
	s4 =	sadd.s32 $0x1, s4  }
0x2f5: {  	p0 =	sne.s32 s4, s31  }
.Ltmp6:
0x2f6: {  	_ = 	snop;
	(pc) =	sbr.rel @p0 .LBB2_1-.Ltmp6, $3  }
0x2f7: {  	_ =	sdelay $0x1  }
0x2f8: {  	[sflag:s1] =	ssyncset.done $0x0  }
0x2f9: {  	[sflag:s1] =	ssyncadd.s32 $0xFFFFE000  }
0x2fa: {  	_ =	sfence.sel $0x180000  }
0x2fb: {  	[bflag:$0x0] =	sbarrier.arrive $0xFFFF  }
0x2fc: {  	_ =	strace $0x90000047  }
0x2fd: {  	s0 =	stileid.u32;
	[bflag:$0x2] =	sbarrier.arrive $0xFFFF  }
0x2fe: {  	p0 =	sne.s32 s0, $0x0;
	s0 =	rddreg [dreg:$0x3]  }
0x2ff: {  	s0 =	sadd.s32 @!p0 $0x100000, s0  }
0x300: {  	[sflag:s0] =	ssyncadd.tile.s32 @!p0 $0x1;
	_ =	shalt  }
.Lfunc_end2:
_tile_overlayer_lowered:
.L_overlay_start_2:
0x301: {  	(tag) =	ssettag $0x2  }
0x302: {  	s0 =	rddreg [dreg:$0x0];
	s2 =	stileid.u32  }
0x303: {  	s1 =	rddreg [dreg:$0x1];
	p0 =	sne.s32 s2, $0x0  }
0x304: {  	s3 =	rddreg [dreg:$0x2];
	[bflag:$0x3] =	sbarrier.arrive $0xFFFF;
	s2 =	simm.s32 @!p0 $0x1C05  }
0x305: {  	[timem:s3], [sflag:s2] =	dma.local @!p0 [hbm:s0], s1  }
0x306: {  	s0 =	simm.s32 @!p0 $0x5  }
0x307: {  	_ =	swait.ge @!p0 [sflag:s0], s1  }
0x308: {  	s1 =	ssub.s32 @!p0 $0x0, s1;
	[sflag:s0] =	ssyncset.done @!p0 $0x0  }
0x309: {  	[sflag:s0] =	ssyncadd.s32 @!p0 s1  }
0x30a: {  	[bflag:$0x3] =	sbarrier.arrive $0xFFFF  }
0x30b: {  	_ =	shalt  }

</sc_bundles>
